<compile_context>
chip_gen: v7x
topology: tpu7x:2x2x1
jax: 0.10.2.dev20260603
libtpu: 0.0.44.dev20260713+nightly
codegen_flags: <defaults>
</compile_context>

<pallas_src>
import functools

import jax
import jax.numpy as jnp
from jax import lax
from jax.experimental import pallas as pl
from jax.experimental.pallas import tpu as pltpu
from jax.experimental.pallas import tpu_sc as plsc

E = 8
D_MODEL = 1024
D_HIDDEN = 512
N = 4096

TM = 512
NT = N // TM
T_VISITS = NT + E - 1
TM2 = 1024

SC_NC = 2
SC_NS = 16
NW = SC_NC * SC_NS
ROWS_PER_W = N // NW
CH = 32
NCH = ROWS_PER_W // CH


def _sc_gather(table, idx3d, d, dtype):
  mesh = plsc.VectorSubcoreMesh(core_axis_name="c", subcore_axis_name="s")

  @functools.partial(
      pl.kernel,
      mesh=mesh,
      out_type=jax.ShapeDtypeStruct((N, d), dtype),
      scratch_types=[
          pltpu.VMEM((NCH, CH), jnp.int32),
          pltpu.VMEM((CH, d), dtype),
          pltpu.VMEM((CH, d), dtype),
          pltpu.VMEM((CH, d), dtype),
          pltpu.SemaphoreType.DMA,
          pltpu.SemaphoreType.DMA,
          pltpu.SemaphoreType.DMA,
          pltpu.SemaphoreType.DMA,
      ],
  )
  def gather_kernel(table_hbm, idx_hbm, out_hbm, idx_v, buf0, buf1, buf2,
                    sem0, sem1, sem2, wsem):
    wid = lax.axis_index("s") * SC_NC + lax.axis_index("c")
    base = wid * ROWS_PER_W
    pltpu.sync_copy(idx_hbm.at[wid], idx_v)
    bufs = (buf0, buf1, buf2)
    sems = (sem0, sem1, sem2)
    rh = [None, None, None]
    wh = [None, None, None]
    for c in range(min(3, NCH)):
      rh[c] = pltpu.async_copy(table_hbm.at[idx_v.at[c]], bufs[c], sems[c])
    for c in range(NCH):
      b = c % 3
      if c >= 3:
        wh[b].wait()
        rh[b] = pltpu.async_copy(table_hbm.at[idx_v.at[c]], bufs[b], sems[b])
      rh[b].wait()
      wh[b] = pltpu.async_copy(bufs[b], out_hbm.at[pl.ds(base + c * CH, CH)],
                               wsem)
    for c in range(max(0, NCH - 3), NCH):
      wh[c % 3].wait()

  return gather_kernel(table, idx3d)


def _sc_scatter(table, idx3d, d, dtype):
  mesh = plsc.VectorSubcoreMesh(core_axis_name="c", subcore_axis_name="s")

  @functools.partial(
      pl.kernel,
      mesh=mesh,
      out_type=jax.ShapeDtypeStruct((N, d), dtype),
      scratch_types=[
          pltpu.VMEM((NCH, CH), jnp.int32),
          pltpu.VMEM((CH, d), dtype),
          pltpu.VMEM((CH, d), dtype),
          pltpu.VMEM((CH, d), dtype),
          pltpu.SemaphoreType.DMA,
          pltpu.SemaphoreType.DMA,
          pltpu.SemaphoreType.DMA,
          pltpu.SemaphoreType.DMA,
      ],
  )
  def scatter_kernel(table_hbm, idx_hbm, out_hbm, idx_v, buf0, buf1, buf2,
                     sem0, sem1, sem2, wsem):
    wid = lax.axis_index("s") * SC_NC + lax.axis_index("c")
    base = wid * ROWS_PER_W
    pltpu.sync_copy(idx_hbm.at[wid], idx_v)
    bufs = (buf0, buf1, buf2)
    sems = (sem0, sem1, sem2)
    rh = [None, None, None]
    wh = [None, None, None]
    for c in range(min(3, NCH)):
      rh[c] = pltpu.async_copy(table_hbm.at[pl.ds(base + c * CH, CH)],
                               bufs[c], sems[c])
    for c in range(NCH):
      b = c % 3
      if c >= 3:
        wh[b].wait()
        rh[b] = pltpu.async_copy(table_hbm.at[pl.ds(base + c * CH, CH)],
                                 bufs[b], sems[b])
      rh[b].wait()
      wh[b] = pltpu.async_copy(bufs[b], out_hbm.at[idx_v.at[c]], wsem)
    for c in range(max(0, NCH - 3), NCH):
      wh[c % 3].wait()

  return scatter_kernel(table, idx3d)


def _grouped_encode(tile_ids, group_ids, seg_starts, seg_ends,
                    x_sorted, W_enc, b_enc):

  def body(tids, gids, st, en, x_ref, we_ref, be_ref,
           out_ref, web_ref):
    t = pl.program_id(0)

    first_g = (t == 0) | (gids[t] != gids[jnp.maximum(t - 1, 0)])

    @pl.when(first_g)
    def _():
      web_ref[...] = we_ref[0].astype(jnp.bfloat16)

    x = x_ref[...]
    enc = jnp.dot(x.astype(jnp.bfloat16), web_ref[...],
                  preferred_element_type=jnp.float32)
    enc = jnp.maximum(enc + be_ref[0, 0], 0.0).astype(jnp.bfloat16)
    h = D_HIDDEN // 2
    e0 = pltpu.bitcast(enc[:, :h], jnp.uint16).astype(jnp.uint32)
    e1 = pltpu.bitcast(enc[:, h:], jnp.uint16).astype(jnp.uint32)
    packed = pltpu.bitcast(e0 | (e1 << 16), jnp.int32)

    base = tids[t] * TM
    ri = base + lax.broadcasted_iota(jnp.int32, (TM, 1), 0)
    mask = (ri >= st[t]) & (ri < en[t])
    out_ref[...] = jnp.where(mask, packed, out_ref[...])

  grid_spec = pltpu.PrefetchScalarGridSpec(
      num_scalar_prefetch=4,
      grid=(T_VISITS,),
      in_specs=[
          pl.BlockSpec((TM, D_MODEL), lambda t, tids, gids, st, en: (tids[t], 0)),
          pl.BlockSpec((1, D_MODEL, D_HIDDEN),
                       lambda t, tids, gids, st, en: (gids[t], 0, 0)),
          pl.BlockSpec((1, 1, D_HIDDEN),
                       lambda t, tids, gids, st, en: (gids[t], 0, 0)),
      ],
      out_specs=pl.BlockSpec((TM, D_HIDDEN // 2),
                             lambda t, tids, gids, st, en: (tids[t], 0)),
      scratch_shapes=[
          pltpu.VMEM((D_MODEL, D_HIDDEN), jnp.bfloat16),
      ],
  )

  return pl.pallas_call(
      body,
      grid_spec=grid_spec,
      out_shape=jax.ShapeDtypeStruct((N, D_HIDDEN // 2), jnp.int32),
      compiler_params=pltpu.CompilerParams(
          dimension_semantics=("arbitrary",)),
  )(tile_ids, group_ids, seg_starts, seg_ends,
    x_sorted, W_enc, b_enc.reshape(E, 1, D_HIDDEN))


def _decode_loss(enc, img, W_dec, b_dec_r):
  nt2 = N // TM2

  def body(enc_ref, x_ref, wd_ref, bd_ref, out_ref, acc_ref, wdb_ref,
           lacc_ref):
    t = pl.program_id(0)

    @pl.when(t == 0)
    def _():
      wdb_ref[...] = wd_ref[...].astype(jnp.bfloat16)
      lacc_ref[...] = jnp.zeros((1, D_MODEL), jnp.float32)

    h = D_HIDDEN // 2
    w = pltpu.bitcast(enc_ref[...], jnp.uint32)
    e0 = pltpu.bitcast((w & 0xFFFF).astype(jnp.uint16), jnp.bfloat16)
    e1 = pltpu.bitcast((w >> 16).astype(jnp.uint16), jnp.bfloat16)
    dec = (jnp.dot(e0, wdb_ref[:h], preferred_element_type=jnp.float32)
           + jnp.dot(e1, wdb_ref[h:], preferred_element_type=jnp.float32)
           + bd_ref[0])
    out_ref[...] = dec
    diff = dec - x_ref[...]
    lacc_ref[...] += jnp.sum(diff * diff, axis=0, keepdims=True)

    @pl.when(t == nt2 - 1)
    def _():
      acc_ref[0, 0] = jnp.sum(lacc_ref[...]) * (1.0 / (N * D_MODEL))

  return pl.pallas_call(
      body,
      grid=(nt2,),
      in_specs=[
          pl.BlockSpec((TM2, D_HIDDEN // 2), lambda t: (t, 0)),
          pl.BlockSpec((TM2, D_MODEL), lambda t: (t, 0)),
          pl.BlockSpec((D_HIDDEN, D_MODEL), lambda t: (0, 0)),
          pl.BlockSpec((1, D_MODEL), lambda t: (0, 0)),
      ],
      out_specs=[
          pl.BlockSpec((TM2, D_MODEL), lambda t: (t, 0)),
          pl.BlockSpec(memory_space=pltpu.SMEM),
      ],
      out_shape=[
          jax.ShapeDtypeStruct((N, D_MODEL), jnp.float32),
          jax.ShapeDtypeStruct((1, 1), jnp.float32),
      ],
      scratch_shapes=[
          pltpu.VMEM((D_HIDDEN, D_MODEL), jnp.bfloat16),
          pltpu.VMEM((1, D_MODEL), jnp.float32),
      ],
      compiler_params=pltpu.CompilerParams(
          dimension_semantics=("arbitrary",)),
  )(enc, img, W_dec, b_dec_r)


def kernel(img, label, W_enc, b_enc, W_dec, b_dec):
  label = label.astype(jnp.int32)

  oh = (label[:, None] == jnp.arange(E, dtype=jnp.int32)[None, :]).astype(
      jnp.int32)
  csum = jnp.cumsum(oh, axis=0)
  sizes = csum[-1]
  ends = jnp.cumsum(sizes)
  starts = ends - sizes
  within = jnp.sum(oh * csum, axis=1) - 1
  rank = jnp.sum(oh * starts[None, :], axis=1) + within
  rank3d = rank.reshape(NW, NCH, CH)
  nonzero = sizes > 0
  first_tile = starts // TM
  last_tile = jnp.where(nonzero, (ends - 1) // TM, first_tile)
  ntiles = jnp.where(nonzero, last_tile - first_tile + 1, 0)
  cum = jnp.cumsum(ntiles)
  cum_ex = cum - ntiles
  n_visits = cum[E - 1]

  t_idx = jnp.arange(T_VISITS, dtype=jnp.int32)
  e_of_t = jnp.minimum(
      jnp.searchsorted(cum, t_idx, side="right").astype(jnp.int32), E - 1)
  valid = t_idx < n_visits
  tile_ids = jnp.where(valid, first_tile[e_of_t] + t_idx - cum_ex[e_of_t],
                       NT - 1).astype(jnp.int32)
  group_ids = jnp.where(valid, e_of_t, 0).astype(jnp.int32)
  seg_starts = jnp.where(valid, starts[e_of_t], 0).astype(jnp.int32)
  seg_ends = jnp.where(valid, ends[e_of_t], 0).astype(jnp.int32)

  x_sorted = _sc_scatter(img, rank3d, D_MODEL, jnp.float32)

  enc_sorted = _grouped_encode(tile_ids, group_ids, seg_starts, seg_ends,
                               x_sorted, W_enc, b_enc)

  enc = _sc_gather(enc_sorted, rank3d, D_HIDDEN // 2, jnp.int32)

  decoded, loss_sum = _decode_loss(enc, img, W_dec,
                                   b_dec.reshape(1, D_MODEL))

  return (loss_sum[0, 0], decoded)

# --- scband reference (transcript-rebuilt; emitter-appended) ---
"""Pipeline reference for scband-model-11527692222992 (READ-ONLY COPY).

The authoritative reference and input builder live on the scoring server;
editing this copy changes nothing except your own understanding.
"""

import jax, jax.numpy as jnp
import numpy as np

E = 8
D_MODEL = 1024
D_HIDDEN = 512
N = 4096

def setup_inputs(seed: int = 0) -> dict:
    key = jax.random.key(seed)
    k1, k2, k3, k4, k5, k6 = jax.random.split(key, 6)
    img = jax.random.normal(k1, (N, D_MODEL), dtype=jnp.float32)
    label = jax.random.randint(k2, (N,), 0, E, dtype=jnp.int64 if jax.config.jax_enable_x64 else jnp.int32).astype(jnp.int32)
    # per-expert encoder params (one encoder per label / 'split_encoder')
    W_enc = jax.random.normal(k3, (E, D_MODEL, D_HIDDEN), dtype=jnp.float32) * (1.0 / np.sqrt(D_MODEL))
    b_enc = jnp.zeros((E, D_HIDDEN), dtype=jnp.float32)
    # shared decoder (split_mode_model == 0)
    W_dec = jax.random.normal(k4, (D_HIDDEN, D_MODEL), dtype=jnp.float32) * (1.0 / np.sqrt(D_HIDDEN))
    b_dec = jnp.zeros((D_MODEL,), dtype=jnp.float32)
    return {"img": img, "label": label, "W_enc": W_enc, "b_enc": b_enc, "W_dec": W_dec, "b_dec": b_dec}

def reference(img, label, W_enc, b_enc, W_dec, b_dec):
    # Training path: route each sample to the encoder indexed by its label,
    # scatter encoded results back into a dense buffer, run shared decoder,
    # then MSE reconstruction loss (mirrors torch masked dispatch semantics).
    encoded = jnp.zeros((img.shape[0], W_enc.shape[2]), dtype=img.dtype)
    for e in range(E):
        mask = (label == e)[:, None]
        enc_e = jax.nn.relu(img @ W_enc[e] + b_enc[e])
        encoded = jnp.where(mask, enc_e, encoded)
    decoded = encoded @ W_dec + b_dec
    loss = jnp.mean((decoded - img) ** 2)
    return (loss, decoded)

if __name__ == "__main__":
    import jax
    _d = setup_inputs()
    print(jax.jit(kernel)(*tuple(_d.values())))

</pallas_src>

<mosaic_0001>
#map = affine_map<(d0, d1) -> (0, 0)>
#map1 = affine_map<(d0, d1) -> (0, 0, 0)>
module attributes {stable_mosaic.version = 14 : i64} {
  func.func @gather_kernel(%arg0: i32, %arg1: i32, %arg2: memref<4096x256xi32, #tpu.memory_space<hbm>>, %arg3: memref<32x4x32xi32, #tpu.memory_space<hbm>>, %arg4: memref<4096x256xi32, #tpu.memory_space<hbm>>, %arg5: memref<4x32xi32, #tpu.memory_space<vmem>>, %arg6: memref<32x256xi32, #tpu.memory_space<vmem>>, %arg7: memref<32x256xi32, #tpu.memory_space<vmem>>, %arg8: memref<32x256xi32, #tpu.memory_space<vmem>>, %arg9: memref<!tpu.dma_semaphore, #tpu.memory_space<semaphore_mem>>, %arg10: memref<!tpu.dma_semaphore, #tpu.memory_space<semaphore_mem>>, %arg11: memref<!tpu.dma_semaphore, #tpu.memory_space<semaphore_mem>>, %arg12: memref<!tpu.dma_semaphore, #tpu.memory_space<semaphore_mem>>) attributes {dimension_semantics = [#tpu.dimension_semantics<core_parallel>, #tpu.dimension_semantics<subcore_parallel>], iteration_bounds = array<i64: 2, 16>, scalar_prefetch = 0 : i64, scratch_operands = 8 : i64, tpu.core_type = #tpu.core_type<sc_vector_subcore>, window_params = [{transform_indices = #map}, {transform_indices = #map1}, {transform_indices = #map}]} {
    %mul3A = arith.constant 2 : i32
    %mul3A_0 = arith.muli %arg1, %mul3A : i32
    %add3A = arith.addi %mul3A_0, %arg0 : i32
    %mul3A_1 = arith.constant 128 : i32
    %mul3A_2 = arith.muli %add3A, %mul3A_1 : i32
    "tpu.region"() ({
      %run_scoped3A = tpu.sem_alloc : memref<!tpu.dma_semaphore, #tpu.memory_space<semaphore_mem>>
      %dma_start3A_97 = arith.constant 0 : i32
      %dma_start3A_98 = arith.constant 0 : i32
      %dma_start3A_99 = tpu.memref_slice %arg3[%add3A, %dma_start3A_97, %dma_start3A_98] : memref<32x4x32xi32, #tpu.memory_space<hbm>> -> memref<1x4x32xi32, #tpu.memory_space<hbm>>
      %dma_start3A_100 = tpu.memref_squeeze %dma_start3A_99 : memref<1x4x32xi32, #tpu.memory_space<hbm>> -> memref<4x32xi32, #tpu.memory_space<hbm>>
      %dma_start3A_101 = arith.constant 0 : i32
      %dma_start3A_102 = arith.constant 0 : i32
      %dma_start3A_103 = tpu.memref_slice %arg3[%add3A, %dma_start3A_101, %dma_start3A_102] : memref<32x4x32xi32, #tpu.memory_space<hbm>> -> memref<1x4x32xi32, #tpu.memory_space<hbm>>
      %dma_start3A_104 = tpu.memref_squeeze %dma_start3A_103 : memref<1x4x32xi32, #tpu.memory_space<hbm>> -> memref<4x32xi32, #tpu.memory_space<hbm>>
      tpu.enqueue_dma source(%dma_start3A_104 : memref<4x32xi32, #tpu.memory_space<hbm>>) target(%arg5 : memref<4x32xi32, #tpu.memory_space<vmem>>) target_semaphore(%run_scoped3A : memref<!tpu.dma_semaphore, #tpu.memory_space<semaphore_mem>>)
      %dma_wait3A_105 = arith.constant 0 : i32
      %dma_wait3A_106 = arith.constant 0 : i32
      %dma_wait3A_107 = tpu.memref_slice %arg3[%add3A, %dma_wait3A_105, %dma_wait3A_106] : memref<32x4x32xi32, #tpu.memory_space<hbm>> -> memref<1x4x32xi32, #tpu.memory_space<hbm>>
      %dma_wait3A_108 = tpu.memref_squeeze %dma_wait3A_107 : memref<1x4x32xi32, #tpu.memory_space<hbm>> -> memref<4x32xi32, #tpu.memory_space<hbm>>
      %dma_wait3A_109 = arith.constant 0 : i32
      %dma_wait3A_110 = arith.constant 0 : i32
      %dma_wait3A_111 = tpu.memref_slice %arg3[%add3A, %dma_wait3A_109, %dma_wait3A_110] : memref<32x4x32xi32, #tpu.memory_space<hbm>> -> memref<1x4x32xi32, #tpu.memory_space<hbm>>
      %dma_wait3A_112 = tpu.memref_squeeze %dma_wait3A_111 : memref<1x4x32xi32, #tpu.memory_space<hbm>> -> memref<4x32xi32, #tpu.memory_space<hbm>>
      tpu.wait_dma2 semaphore(%run_scoped3A : memref<!tpu.dma_semaphore, #tpu.memory_space<semaphore_mem>>) src(%dma_wait3A_112 : memref<4x32xi32, #tpu.memory_space<hbm>>) dst(%arg5 : memref<4x32xi32, #tpu.memory_space<vmem>>)
      tpu.yield
    }) : () -> ()
    %dma_start3A = arith.constant 0 : i32
    %dma_start3A_3 = arith.constant 0 : i32
    %dma_start3A_4 = tpu.memref_slice %arg5[%dma_start3A, %dma_start3A_3] : memref<4x32xi32, #tpu.memory_space<vmem>> -> memref<1x32xi32, #tpu.memory_space<vmem>>
    %dma_start3A_5 = tpu.memref_squeeze %dma_start3A_4 : memref<1x32xi32, #tpu.memory_space<vmem>> -> memref<32xi32, #tpu.memory_space<vmem>>
    %dma_start3A_6 = arith.constant 0 : i32
    %dma_start3A_7 = arith.constant 0 : i32
    %dma_start3A_8 = tpu.memref_slice %arg2[%dma_start3A_6, %dma_start3A_7] : memref<4096x256xi32, #tpu.memory_space<hbm>> -> memref<4096x256xi32, #tpu.memory_space<hbm>>
    tpu.enqueue_indirect_dma source(%dma_start3A_8 : memref<4096x256xi32, #tpu.memory_space<hbm>>) target(%arg6 : memref<32x256xi32, #tpu.memory_space<vmem>>) offsets(%dma_start3A_5 : memref<32xi32, #tpu.memory_space<vmem>>) semaphore(%arg9 : memref<!tpu.dma_semaphore, #tpu.memory_space<semaphore_mem>>)
    %dma_start3A_9 = arith.constant 1 : i32
    %dma_start3A_10 = arith.constant 0 : i32
    %dma_start3A_11 = tpu.memref_slice %arg5[%dma_start3A_9, %dma_start3A_10] : memref<4x32xi32, #tpu.memory_space<vmem>> -> memref<1x32xi32, #tpu.memory_space<vmem>>
    %dma_start3A_12 = tpu.memref_squeeze %dma_start3A_11 : memref<1x32xi32, #tpu.memory_space<vmem>> -> memref<32xi32, #tpu.memory_space<vmem>>
    %dma_start3A_13 = arith.constant 0 : i32
    %dma_start3A_14 = arith.constant 0 : i32
    %dma_start3A_15 = tpu.memref_slice %arg2[%dma_start3A_13, %dma_start3A_14] : memref<4096x256xi32, #tpu.memory_space<hbm>> -> memref<4096x256xi32, #tpu.memory_space<hbm>>
    tpu.enqueue_indirect_dma source(%dma_start3A_15 : memref<4096x256xi32, #tpu.memory_space<hbm>>) target(%arg7 : memref<32x256xi32, #tpu.memory_space<vmem>>) offsets(%dma_start3A_12 : memref<32xi32, #tpu.memory_space<vmem>>) semaphore(%arg10 : memref<!tpu.dma_semaphore, #tpu.memory_space<semaphore_mem>>)
    %dma_start3A_16 = arith.constant 2 : i32
    %dma_start3A_17 = arith.constant 0 : i32
    %dma_start3A_18 = tpu.memref_slice %arg5[%dma_start3A_16, %dma_start3A_17] : memref<4x32xi32, #tpu.memory_space<vmem>> -> memref<1x32xi32, #tpu.memory_space<vmem>>
    %dma_start3A_19 = tpu.memref_squeeze %dma_start3A_18 : memref<1x32xi32, #tpu.memory_space<vmem>> -> memref<32xi32, #tpu.memory_space<vmem>>
    %dma_start3A_20 = arith.constant 0 : i32
    %dma_start3A_21 = arith.constant 0 : i32
    %dma_start3A_22 = tpu.memref_slice %arg2[%dma_start3A_20, %dma_start3A_21] : memref<4096x256xi32, #tpu.memory_space<hbm>> -> memref<4096x256xi32, #tpu.memory_space<hbm>>
    tpu.enqueue_indirect_dma source(%dma_start3A_22 : memref<4096x256xi32, #tpu.memory_space<hbm>>) target(%arg8 : memref<32x256xi32, #tpu.memory_space<vmem>>) offsets(%dma_start3A_19 : memref<32xi32, #tpu.memory_space<vmem>>) semaphore(%arg11 : memref<!tpu.dma_semaphore, #tpu.memory_space<semaphore_mem>>)
    %dma_wait3A = arith.constant 0 : i32
    %dma_wait3A_23 = arith.constant 0 : i32
    %dma_wait3A_24 = tpu.memref_slice %arg5[%dma_wait3A, %dma_wait3A_23] : memref<4x32xi32, #tpu.memory_space<vmem>> -> memref<1x32xi32, #tpu.memory_space<vmem>>
    %dma_wait3A_25 = tpu.memref_squeeze %dma_wait3A_24 : memref<1x32xi32, #tpu.memory_space<vmem>> -> memref<32xi32, #tpu.memory_space<vmem>>
    %dma_wait3A_26 = arith.constant 0 : i32
    %dma_wait3A_27 = arith.constant 0 : i32
    %dma_wait3A_28 = tpu.memref_slice %arg2[%dma_wait3A_26, %dma_wait3A_27] : memref<4096x256xi32, #tpu.memory_space<hbm>> -> memref<4096x256xi32, #tpu.memory_space<hbm>>
    tpu.wait_indirect_dma semaphore(%arg9 : memref<!tpu.dma_semaphore, #tpu.memory_space<semaphore_mem>>) src(%dma_wait3A_28 : memref<4096x256xi32, #tpu.memory_space<hbm>>) dst(%arg6 : memref<32x256xi32, #tpu.memory_space<vmem>>)
    %add3A_29 = arith.constant 0 : i32
    %add3A_30 = arith.addi %mul3A_2, %add3A_29 : i32
    %dma_start3A_31 = arith.constant 0 : i32
    %dma_start3A_32 = tpu.memref_slice %arg4[%add3A_30, %dma_start3A_31] : memref<4096x256xi32, #tpu.memory_space<hbm>> -> memref<32x256xi32, #tpu.memory_space<hbm>>
    %dma_start3A_33 = arith.constant 0 : i32
    %dma_start3A_34 = tpu.memref_slice %arg4[%add3A_30, %dma_start3A_33] : memref<4096x256xi32, #tpu.memory_space<hbm>> -> memref<32x256xi32, #tpu.memory_space<hbm>>
    tpu.enqueue_dma source(%arg6 : memref<32x256xi32, #tpu.memory_space<vmem>>) target(%dma_start3A_34 : memref<32x256xi32, #tpu.memory_space<hbm>>) target_semaphore(%arg12 : memref<!tpu.dma_semaphore, #tpu.memory_space<semaphore_mem>>)
    %dma_wait3A_35 = arith.constant 1 : i32
    %dma_wait3A_36 = arith.constant 0 : i32
    %dma_wait3A_37 = tpu.memref_slice %arg5[%dma_wait3A_35, %dma_wait3A_36] : memref<4x32xi32, #tpu.memory_space<vmem>> -> memref<1x32xi32, #tpu.memory_space<vmem>>
    %dma_wait3A_38 = tpu.memref_squeeze %dma_wait3A_37 : memref<1x32xi32, #tpu.memory_space<vmem>> -> memref<32xi32, #tpu.memory_space<vmem>>
    %dma_wait3A_39 = arith.constant 0 : i32
    %dma_wait3A_40 = arith.constant 0 : i32
    %dma_wait3A_41 = tpu.memref_slice %arg2[%dma_wait3A_39, %dma_wait3A_40] : memref<4096x256xi32, #tpu.memory_space<hbm>> -> memref<4096x256xi32, #tpu.memory_space<hbm>>
    tpu.wait_indirect_dma semaphore(%arg10 : memref<!tpu.dma_semaphore, #tpu.memory_space<semaphore_mem>>) src(%dma_wait3A_41 : memref<4096x256xi32, #tpu.memory_space<hbm>>) dst(%arg7 : memref<32x256xi32, #tpu.memory_space<vmem>>)
    %add3A_42 = arith.constant 32 : i32
    %add3A_43 = arith.addi %mul3A_2, %add3A_42 : i32
    %dma_start3A_44 = arith.constant 0 : i32
    %dma_start3A_45 = tpu.memref_slice %arg4[%add3A_43, %dma_start3A_44] : memref<4096x256xi32, #tpu.memory_space<hbm>> -> memref<32x256xi32, #tpu.memory_space<hbm>>
    %dma_start3A_46 = arith.constant 0 : i32
    %dma_start3A_47 = tpu.memref_slice %arg4[%add3A_43, %dma_start3A_46] : memref<4096x256xi32, #tpu.memory_space<hbm>> -> memref<32x256xi32, #tpu.memory_space<hbm>>
    tpu.enqueue_dma source(%arg7 : memref<32x256xi32, #tpu.memory_space<vmem>>) target(%dma_start3A_47 : memref<32x256xi32, #tpu.memory_space<hbm>>) target_semaphore(%arg12 : memref<!tpu.dma_semaphore, #tpu.memory_space<semaphore_mem>>)
    %dma_wait3A_48 = arith.constant 2 : i32
    %dma_wait3A_49 = arith.constant 0 : i32
    %dma_wait3A_50 = tpu.memref_slice %arg5[%dma_wait3A_48, %dma_wait3A_49] : memref<4x32xi32, #tpu.memory_space<vmem>> -> memref<1x32xi32, #tpu.memory_space<vmem>>
    %dma_wait3A_51 = tpu.memref_squeeze %dma_wait3A_50 : memref<1x32xi32, #tpu.memory_space<vmem>> -> memref<32xi32, #tpu.memory_space<vmem>>
    %dma_wait3A_52 = arith.constant 0 : i32
    %dma_wait3A_53 = arith.constant 0 : i32
    %dma_wait3A_54 = tpu.memref_slice %arg2[%dma_wait3A_52, %dma_wait3A_53] : memref<4096x256xi32, #tpu.memory_space<hbm>> -> memref<4096x256xi32, #tpu.memory_space<hbm>>
    tpu.wait_indirect_dma semaphore(%arg11 : memref<!tpu.dma_semaphore, #tpu.memory_space<semaphore_mem>>) src(%dma_wait3A_54 : memref<4096x256xi32, #tpu.memory_space<hbm>>) dst(%arg8 : memref<32x256xi32, #tpu.memory_space<vmem>>)
    %add3A_55 = arith.constant 64 : i32
    %add3A_56 = arith.addi %mul3A_2, %add3A_55 : i32
    %dma_start3A_57 = arith.constant 0 : i32
    %dma_start3A_58 = tpu.memref_slice %arg4[%add3A_56, %dma_start3A_57] : memref<4096x256xi32, #tpu.memory_space<hbm>> -> memref<32x256xi32, #tpu.memory_space<hbm>>
    %dma_start3A_59 = arith.constant 0 : i32
    %dma_start3A_60 = tpu.memref_slice %arg4[%add3A_56, %dma_start3A_59] : memref<4096x256xi32, #tpu.memory_space<hbm>> -> memref<32x256xi32, #tpu.memory_space<hbm>>
    tpu.enqueue_dma source(%arg8 : memref<32x256xi32, #tpu.memory_space<vmem>>) target(%dma_start3A_60 : memref<32x256xi32, #tpu.memory_space<hbm>>) target_semaphore(%arg12 : memref<!tpu.dma_semaphore, #tpu.memory_space<semaphore_mem>>)
    %dma_wait3A_61 = arith.constant 0 : i32
    %dma_wait3A_62 = tpu.memref_slice %arg4[%add3A_30, %dma_wait3A_61] : memref<4096x256xi32, #tpu.memory_space<hbm>> -> memref<32x256xi32, #tpu.memory_space<hbm>>
    %dma_wait3A_63 = arith.constant 0 : i32
    %dma_wait3A_64 = tpu.memref_slice %arg4[%add3A_30, %dma_wait3A_63] : memref<4096x256xi32, #tpu.memory_space<hbm>> -> memref<32x256xi32, #tpu.memory_space<hbm>>
    tpu.wait_dma2 semaphore(%arg12 : memref<!tpu.dma_semaphore, #tpu.memory_space<semaphore_mem>>) src(%arg6 : memref<32x256xi32, #tpu.memory_space<vmem>>) dst(%dma_wait3A_64 : memref<32x256xi32, #tpu.memory_space<hbm>>)
    %dma_start3A_65 = arith.constant 3 : i32
    %dma_start3A_66 = arith.constant 0 : i32
    %dma_start3A_67 = tpu.memref_slice %arg5[%dma_start3A_65, %dma_start3A_66] : memref<4x32xi32, #tpu.memory_space<vmem>> -> memref<1x32xi32, #tpu.memory_space<vmem>>
    %dma_start3A_68 = tpu.memref_squeeze %dma_start3A_67 : memref<1x32xi32, #tpu.memory_space<vmem>> -> memref<32xi32, #tpu.memory_space<vmem>>
    %dma_start3A_69 = arith.constant 0 : i32
    %dma_start3A_70 = arith.constant 0 : i32
    %dma_start3A_71 = tpu.memref_slice %arg2[%dma_start3A_69, %dma_start3A_70] : memref<4096x256xi32, #tpu.memory_space<hbm>> -> memref<4096x256xi32, #tpu.memory_space<hbm>>
    tpu.enqueue_indirect_dma source(%dma_start3A_71 : memref<4096x256xi32, #tpu.memory_space<hbm>>) target(%arg6 : memref<32x256xi32, #tpu.memory_space<vmem>>) offsets(%dma_start3A_68 : memref<32xi32, #tpu.memory_space<vmem>>) semaphore(%arg9 : memref<!tpu.dma_semaphore, #tpu.memory_space<semaphore_mem>>)
    %dma_wait3A_72 = arith.constant 3 : i32
    %dma_wait3A_73 = arith.constant 0 : i32
    %dma_wait3A_74 = tpu.memref_slice %arg5[%dma_wait3A_72, %dma_wait3A_73] : memref<4x32xi32, #tpu.memory_space<vmem>> -> memref<1x32xi32, #tpu.memory_space<vmem>>
    %dma_wait3A_75 = tpu.memref_squeeze %dma_wait3A_74 : memref<1x32xi32, #tpu.memory_space<vmem>> -> memref<32xi32, #tpu.memory_space<vmem>>
    %dma_wait3A_76 = arith.constant 0 : i32
    %dma_wait3A_77 = arith.constant 0 : i32
    %dma_wait3A_78 = tpu.memref_slice %arg2[%dma_wait3A_76, %dma_wait3A_77] : memref<4096x256xi32, #tpu.memory_space<hbm>> -> memref<4096x256xi32, #tpu.memory_space<hbm>>
    tpu.wait_indirect_dma semaphore(%arg9 : memref<!tpu.dma_semaphore, #tpu.memory_space<semaphore_mem>>) src(%dma_wait3A_78 : memref<4096x256xi32, #tpu.memory_space<hbm>>) dst(%arg6 : memref<32x256xi32, #tpu.memory_space<vmem>>)
    %add3A_79 = arith.constant 96 : i32
    %add3A_80 = arith.addi %mul3A_2, %add3A_79 : i32
    %dma_start3A_81 = arith.constant 0 : i32
    %dma_start3A_82 = tpu.memref_slice %arg4[%add3A_80, %dma_start3A_81] : memref<4096x256xi32, #tpu.memory_space<hbm>> -> memref<32x256xi32, #tpu.memory_space<hbm>>
    %dma_start3A_83 = arith.constant 0 : i32
    %dma_start3A_84 = tpu.memref_slice %arg4[%add3A_80, %dma_start3A_83] : memref<4096x256xi32, #tpu.memory_space<hbm>> -> memref<32x256xi32, #tpu.memory_space<hbm>>
    tpu.enqueue_dma source(%arg6 : memref<32x256xi32, #tpu.memory_space<vmem>>) target(%dma_start3A_84 : memref<32x256xi32, #tpu.memory_space<hbm>>) target_semaphore(%arg12 : memref<!tpu.dma_semaphore, #tpu.memory_space<semaphore_mem>>)
    %dma_wait3A_85 = arith.constant 0 : i32
    %dma_wait3A_86 = tpu.memref_slice %arg4[%add3A_43, %dma_wait3A_85] : memref<4096x256xi32, #tpu.memory_space<hbm>> -> memref<32x256xi32, #tpu.memory_space<hbm>>
    %dma_wait3A_87 = arith.constant 0 : i32
    %dma_wait3A_88 = tpu.memref_slice %arg4[%add3A_43, %dma_wait3A_87] : memref<4096x256xi32, #tpu.memory_space<hbm>> -> memref<32x256xi32, #tpu.memory_space<hbm>>
    tpu.wait_dma2 semaphore(%arg12 : memref<!tpu.dma_semaphore, #tpu.memory_space<semaphore_mem>>) src(%arg7 : memref<32x256xi32, #tpu.memory_space<vmem>>) dst(%dma_wait3A_88 : memref<32x256xi32, #tpu.memory_space<hbm>>)
    %dma_wait3A_89 = arith.constant 0 : i32
    %dma_wait3A_90 = tpu.memref_slice %arg4[%add3A_56, %dma_wait3A_89] : memref<4096x256xi32, #tpu.memory_space<hbm>> -> memref<32x256xi32, #tpu.memory_space<hbm>>
    %dma_wait3A_91 = arith.constant 0 : i32
    %dma_wait3A_92 = tpu.memref_slice %arg4[%add3A_56, %dma_wait3A_91] : memref<4096x256xi32, #tpu.memory_space<hbm>> -> memref<32x256xi32, #tpu.memory_space<hbm>>
    tpu.wait_dma2 semaphore(%arg12 : memref<!tpu.dma_semaphore, #tpu.memory_space<semaphore_mem>>) src(%arg8 : memref<32x256xi32, #tpu.memory_space<vmem>>) dst(%dma_wait3A_92 : memref<32x256xi32, #tpu.memory_space<hbm>>)
    %dma_wait3A_93 = arith.constant 0 : i32
    %dma_wait3A_94 = tpu.memref_slice %arg4[%add3A_80, %dma_wait3A_93] : memref<4096x256xi32, #tpu.memory_space<hbm>> -> memref<32x256xi32, #tpu.memory_space<hbm>>
    %dma_wait3A_95 = arith.constant 0 : i32
    %dma_wait3A_96 = tpu.memref_slice %arg4[%add3A_80, %dma_wait3A_95] : memref<4096x256xi32, #tpu.memory_space<hbm>> -> memref<32x256xi32, #tpu.memory_space<hbm>>
    tpu.wait_dma2 semaphore(%arg12 : memref<!tpu.dma_semaphore, #tpu.memory_space<semaphore_mem>>) src(%arg6 : memref<32x256xi32, #tpu.memory_space<vmem>>) dst(%dma_wait3A_96 : memref<32x256xi32, #tpu.memory_space<hbm>>)
    return
  }
}

#map = affine_map<(d0, d1) -> (0, 0)>
#map1 = affine_map<(d0, d1) -> (0, 0, 0)>
module attributes {stable_mosaic.version = 14 : i64} {
  func.func @scatter_kernel(%arg0: i32, %arg1: i32, %arg2: memref<4096x1024xf32, #tpu.memory_space<hbm>>, %arg3: memref<32x4x32xi32, #tpu.memory_space<hbm>>, %arg4: memref<4096x1024xf32, #tpu.memory_space<hbm>>, %arg5: memref<4x32xi32, #tpu.memory_space<vmem>>, %arg6: memref<32x1024xf32, #tpu.memory_space<vmem>>, %arg7: memref<32x1024xf32, #tpu.memory_space<vmem>>, %arg8: memref<32x1024xf32, #tpu.memory_space<vmem>>, %arg9: memref<!tpu.dma_semaphore, #tpu.memory_space<semaphore_mem>>, %arg10: memref<!tpu.dma_semaphore, #tpu.memory_space<semaphore_mem>>, %arg11: memref<!tpu.dma_semaphore, #tpu.memory_space<semaphore_mem>>, %arg12: memref<!tpu.dma_semaphore, #tpu.memory_space<semaphore_mem>>) attributes {dimension_semantics = [#tpu.dimension_semantics<core_parallel>, #tpu.dimension_semantics<subcore_parallel>], iteration_bounds = array<i64: 2, 16>, scalar_prefetch = 0 : i64, scratch_operands = 8 : i64, tpu.core_type = #tpu.core_type<sc_vector_subcore>, window_params = [{transform_indices = #map}, {transform_indices = #map1}, {transform_indices = #map}]} {
    %mul3A = arith.constant 2 : i32
    %mul3A_0 = arith.muli %arg1, %mul3A : i32
    %add3A = arith.addi %mul3A_0, %arg0 : i32
    %mul3A_1 = arith.constant 128 : i32
    %mul3A_2 = arith.muli %add3A, %mul3A_1 : i32
    "tpu.region"() ({
      %run_scoped3A = tpu.sem_alloc : memref<!tpu.dma_semaphore, #tpu.memory_space<semaphore_mem>>
      %dma_start3A_97 = arith.constant 0 : i32
      %dma_start3A_98 = arith.constant 0 : i32
      %dma_start3A_99 = tpu.memref_slice %arg3[%add3A, %dma_start3A_97, %dma_start3A_98] : memref<32x4x32xi32, #tpu.memory_space<hbm>> -> memref<1x4x32xi32, #tpu.memory_space<hbm>>
      %dma_start3A_100 = tpu.memref_squeeze %dma_start3A_99 : memref<1x4x32xi32, #tpu.memory_space<hbm>> -> memref<4x32xi32, #tpu.memory_space<hbm>>
      %dma_start3A_101 = arith.constant 0 : i32
      %dma_start3A_102 = arith.constant 0 : i32
      %dma_start3A_103 = tpu.memref_slice %arg3[%add3A, %dma_start3A_101, %dma_start3A_102] : memref<32x4x32xi32, #tpu.memory_space<hbm>> -> memref<1x4x32xi32, #tpu.memory_space<hbm>>
      %dma_start3A_104 = tpu.memref_squeeze %dma_start3A_103 : memref<1x4x32xi32, #tpu.memory_space<hbm>> -> memref<4x32xi32, #tpu.memory_space<hbm>>
      tpu.enqueue_dma source(%dma_start3A_104 : memref<4x32xi32, #tpu.memory_space<hbm>>) target(%arg5 : memref<4x32xi32, #tpu.memory_space<vmem>>) target_semaphore(%run_scoped3A : memref<!tpu.dma_semaphore, #tpu.memory_space<semaphore_mem>>)
      %dma_wait3A_105 = arith.constant 0 : i32
      %dma_wait3A_106 = arith.constant 0 : i32
      %dma_wait3A_107 = tpu.memref_slice %arg3[%add3A, %dma_wait3A_105, %dma_wait3A_106] : memref<32x4x32xi32, #tpu.memory_space<hbm>> -> memref<1x4x32xi32, #tpu.memory_space<hbm>>
      %dma_wait3A_108 = tpu.memref_squeeze %dma_wait3A_107 : memref<1x4x32xi32, #tpu.memory_space<hbm>> -> memref<4x32xi32, #tpu.memory_space<hbm>>
      %dma_wait3A_109 = arith.constant 0 : i32
      %dma_wait3A_110 = arith.constant 0 : i32
      %dma_wait3A_111 = tpu.memref_slice %arg3[%add3A, %dma_wait3A_109, %dma_wait3A_110] : memref<32x4x32xi32, #tpu.memory_space<hbm>> -> memref<1x4x32xi32, #tpu.memory_space<hbm>>
      %dma_wait3A_112 = tpu.memref_squeeze %dma_wait3A_111 : memref<1x4x32xi32, #tpu.memory_space<hbm>> -> memref<4x32xi32, #tpu.memory_space<hbm>>
      tpu.wait_dma2 semaphore(%run_scoped3A : memref<!tpu.dma_semaphore, #tpu.memory_space<semaphore_mem>>) src(%dma_wait3A_112 : memref<4x32xi32, #tpu.memory_space<hbm>>) dst(%arg5 : memref<4x32xi32, #tpu.memory_space<vmem>>)
      tpu.yield
    }) : () -> ()
    %add3A_3 = arith.constant 0 : i32
    %add3A_4 = arith.addi %mul3A_2, %add3A_3 : i32
    %dma_start3A = arith.constant 0 : i32
    %dma_start3A_5 = tpu.memref_slice %arg2[%add3A_4, %dma_start3A] : memref<4096x1024xf32, #tpu.memory_space<hbm>> -> memref<32x1024xf32, #tpu.memory_space<hbm>>
    %dma_start3A_6 = arith.constant 0 : i32
    %dma_start3A_7 = tpu.memref_slice %arg2[%add3A_4, %dma_start3A_6] : memref<4096x1024xf32, #tpu.memory_space<hbm>> -> memref<32x1024xf32, #tpu.memory_space<hbm>>
    tpu.enqueue_dma source(%dma_start3A_7 : memref<32x1024xf32, #tpu.memory_space<hbm>>) target(%arg6 : memref<32x1024xf32, #tpu.memory_space<vmem>>) target_semaphore(%arg9 : memref<!tpu.dma_semaphore, #tpu.memory_space<semaphore_mem>>)
    %add3A_8 = arith.constant 32 : i32
    %add3A_9 = arith.addi %mul3A_2, %add3A_8 : i32
    %dma_start3A_10 = arith.constant 0 : i32
    %dma_start3A_11 = tpu.memref_slice %arg2[%add3A_9, %dma_start3A_10] : memref<4096x1024xf32, #tpu.memory_space<hbm>> -> memref<32x1024xf32, #tpu.memory_space<hbm>>
    %dma_start3A_12 = arith.constant 0 : i32
    %dma_start3A_13 = tpu.memref_slice %arg2[%add3A_9, %dma_start3A_12] : memref<4096x1024xf32, #tpu.memory_space<hbm>> -> memref<32x1024xf32, #tpu.memory_space<hbm>>
    tpu.enqueue_dma source(%dma_start3A_13 : memref<32x1024xf32, #tpu.memory_space<hbm>>) target(%arg7 : memref<32x1024xf32, #tpu.memory_space<vmem>>) target_semaphore(%arg10 : memref<!tpu.dma_semaphore, #tpu.memory_space<semaphore_mem>>)
    %add3A_14 = arith.constant 64 : i32
    %add3A_15 = arith.addi %mul3A_2, %add3A_14 : i32
    %dma_start3A_16 = arith.constant 0 : i32
    %dma_start3A_17 = tpu.memref_slice %arg2[%add3A_15, %dma_start3A_16] : memref<4096x1024xf32, #tpu.memory_space<hbm>> -> memref<32x1024xf32, #tpu.memory_space<hbm>>
    %dma_start3A_18 = arith.constant 0 : i32
    %dma_start3A_19 = tpu.memref_slice %arg2[%add3A_15, %dma_start3A_18] : memref<4096x1024xf32, #tpu.memory_space<hbm>> -> memref<32x1024xf32, #tpu.memory_space<hbm>>
    tpu.enqueue_dma source(%dma_start3A_19 : memref<32x1024xf32, #tpu.memory_space<hbm>>) target(%arg8 : memref<32x1024xf32, #tpu.memory_space<vmem>>) target_semaphore(%arg11 : memref<!tpu.dma_semaphore, #tpu.memory_space<semaphore_mem>>)
    %dma_wait3A = arith.constant 0 : i32
    %dma_wait3A_20 = tpu.memref_slice %arg2[%add3A_4, %dma_wait3A] : memref<4096x1024xf32, #tpu.memory_space<hbm>> -> memref<32x1024xf32, #tpu.memory_space<hbm>>
    %dma_wait3A_21 = arith.constant 0 : i32
    %dma_wait3A_22 = tpu.memref_slice %arg2[%add3A_4, %dma_wait3A_21] : memref<4096x1024xf32, #tpu.memory_space<hbm>> -> memref<32x1024xf32, #tpu.memory_space<hbm>>
    tpu.wait_dma2 semaphore(%arg9 : memref<!tpu.dma_semaphore, #tpu.memory_space<semaphore_mem>>) src(%dma_wait3A_22 : memref<32x1024xf32, #tpu.memory_space<hbm>>) dst(%arg6 : memref<32x1024xf32, #tpu.memory_space<vmem>>)
    %dma_start3A_23 = arith.constant 0 : i32
    %dma_start3A_24 = arith.constant 0 : i32
    %dma_start3A_25 = tpu.memref_slice %arg5[%dma_start3A_23, %dma_start3A_24] : memref<4x32xi32, #tpu.memory_space<vmem>> -> memref<1x32xi32, #tpu.memory_space<vmem>>
    %dma_start3A_26 = tpu.memref_squeeze %dma_start3A_25 : memref<1x32xi32, #tpu.memory_space<vmem>> -> memref<32xi32, #tpu.memory_space<vmem>>
    %dma_start3A_27 = arith.constant 0 : i32
    %dma_start3A_28 = arith.constant 0 : i32
    %dma_start3A_29 = tpu.memref_slice %arg4[%dma_start3A_27, %dma_start3A_28] : memref<4096x1024xf32, #tpu.memory_space<hbm>> -> memref<4096x1024xf32, #tpu.memory_space<hbm>>
    tpu.enqueue_indirect_dma source(%arg6 : memref<32x1024xf32, #tpu.memory_space<vmem>>) target(%dma_start3A_29 : memref<4096x1024xf32, #tpu.memory_space<hbm>>) offsets(%dma_start3A_26 : memref<32xi32, #tpu.memory_space<vmem>>) semaphore(%arg12 : memref<!tpu.dma_semaphore, #tpu.memory_space<semaphore_mem>>)
    %dma_wait3A_30 = arith.constant 0 : i32
    %dma_wait3A_31 = tpu.memref_slice %arg2[%add3A_9, %dma_wait3A_30] : memref<4096x1024xf32, #tpu.memory_space<hbm>> -> memref<32x1024xf32, #tpu.memory_space<hbm>>
    %dma_wait3A_32 = arith.constant 0 : i32
    %dma_wait3A_33 = tpu.memref_slice %arg2[%add3A_9, %dma_wait3A_32] : memref<4096x1024xf32, #tpu.memory_space<hbm>> -> memref<32x1024xf32, #tpu.memory_space<hbm>>
    tpu.wait_dma2 semaphore(%arg10 : memref<!tpu.dma_semaphore, #tpu.memory_space<semaphore_mem>>) src(%dma_wait3A_33 : memref<32x1024xf32, #tpu.memory_space<hbm>>) dst(%arg7 : memref<32x1024xf32, #tpu.memory_space<vmem>>)
    %dma_start3A_34 = arith.constant 1 : i32
    %dma_start3A_35 = arith.constant 0 : i32
    %dma_start3A_36 = tpu.memref_slice %arg5[%dma_start3A_34, %dma_start3A_35] : memref<4x32xi32, #tpu.memory_space<vmem>> -> memref<1x32xi32, #tpu.memory_space<vmem>>
    %dma_start3A_37 = tpu.memref_squeeze %dma_start3A_36 : memref<1x32xi32, #tpu.memory_space<vmem>> -> memref<32xi32, #tpu.memory_space<vmem>>
    %dma_start3A_38 = arith.constant 0 : i32
    %dma_start3A_39 = arith.constant 0 : i32
    %dma_start3A_40 = tpu.memref_slice %arg4[%dma_start3A_38, %dma_start3A_39] : memref<4096x1024xf32, #tpu.memory_space<hbm>> -> memref<4096x1024xf32, #tpu.memory_space<hbm>>
    tpu.enqueue_indirect_dma source(%arg7 : memref<32x1024xf32, #tpu.memory_space<vmem>>) target(%dma_start3A_40 : memref<4096x1024xf32, #tpu.memory_space<hbm>>) offsets(%dma_start3A_37 : memref<32xi32, #tpu.memory_space<vmem>>) semaphore(%arg12 : memref<!tpu.dma_semaphore, #tpu.memory_space<semaphore_mem>>)
    %dma_wait3A_41 = arith.constant 0 : i32
    %dma_wait3A_42 = tpu.memref_slice %arg2[%add3A_15, %dma_wait3A_41] : memref<4096x1024xf32, #tpu.memory_space<hbm>> -> memref<32x1024xf32, #tpu.memory_space<hbm>>
    %dma_wait3A_43 = arith.constant 0 : i32
    %dma_wait3A_44 = tpu.memref_slice %arg2[%add3A_15, %dma_wait3A_43] : memref<4096x1024xf32, #tpu.memory_space<hbm>> -> memref<32x1024xf32, #tpu.memory_space<hbm>>
    tpu.wait_dma2 semaphore(%arg11 : memref<!tpu.dma_semaphore, #tpu.memory_space<semaphore_mem>>) src(%dma_wait3A_44 : memref<32x1024xf32, #tpu.memory_space<hbm>>) dst(%arg8 : memref<32x1024xf32, #tpu.memory_space<vmem>>)
    %dma_start3A_45 = arith.constant 2 : i32
    %dma_start3A_46 = arith.constant 0 : i32
    %dma_start3A_47 = tpu.memref_slice %arg5[%dma_start3A_45, %dma_start3A_46] : memref<4x32xi32, #tpu.memory_space<vmem>> -> memref<1x32xi32, #tpu.memory_space<vmem>>
    %dma_start3A_48 = tpu.memref_squeeze %dma_start3A_47 : memref<1x32xi32, #tpu.memory_space<vmem>> -> memref<32xi32, #tpu.memory_space<vmem>>
    %dma_start3A_49 = arith.constant 0 : i32
    %dma_start3A_50 = arith.constant 0 : i32
    %dma_start3A_51 = tpu.memref_slice %arg4[%dma_start3A_49, %dma_start3A_50] : memref<4096x1024xf32, #tpu.memory_space<hbm>> -> memref<4096x1024xf32, #tpu.memory_space<hbm>>
    tpu.enqueue_indirect_dma source(%arg8 : memref<32x1024xf32, #tpu.memory_space<vmem>>) target(%dma_start3A_51 : memref<4096x1024xf32, #tpu.memory_space<hbm>>) offsets(%dma_start3A_48 : memref<32xi32, #tpu.memory_space<vmem>>) semaphore(%arg12 : memref<!tpu.dma_semaphore, #tpu.memory_space<semaphore_mem>>)
    %dma_wait3A_52 = arith.constant 0 : i32
    %dma_wait3A_53 = arith.constant 0 : i32
    %dma_wait3A_54 = tpu.memref_slice %arg5[%dma_wait3A_52, %dma_wait3A_53] : memref<4x32xi32, #tpu.memory_space<vmem>> -> memref<1x32xi32, #tpu.memory_space<vmem>>
    %dma_wait3A_55 = tpu.memref_squeeze %dma_wait3A_54 : memref<1x32xi32, #tpu.memory_space<vmem>> -> memref<32xi32, #tpu.memory_space<vmem>>
    %dma_wait3A_56 = arith.constant 0 : i32
    %dma_wait3A_57 = arith.constant 0 : i32
    %dma_wait3A_58 = tpu.memref_slice %arg4[%dma_wait3A_56, %dma_wait3A_57] : memref<4096x1024xf32, #tpu.memory_space<hbm>> -> memref<4096x1024xf32, #tpu.memory_space<hbm>>
    tpu.wait_indirect_dma semaphore(%arg12 : memref<!tpu.dma_semaphore, #tpu.memory_space<semaphore_mem>>) src(%arg6 : memref<32x1024xf32, #tpu.memory_space<vmem>>) dst(%dma_wait3A_58 : memref<4096x1024xf32, #tpu.memory_space<hbm>>)
    %add3A_59 = arith.constant 96 : i32
    %add3A_60 = arith.addi %mul3A_2, %add3A_59 : i32
    %dma_start3A_61 = arith.constant 0 : i32
    %dma_start3A_62 = tpu.memref_slice %arg2[%add3A_60, %dma_start3A_61] : memref<4096x1024xf32, #tpu.memory_space<hbm>> -> memref<32x1024xf32, #tpu.memory_space<hbm>>
    %dma_start3A_63 = arith.constant 0 : i32
    %dma_start3A_64 = tpu.memref_slice %arg2[%add3A_60, %dma_start3A_63] : memref<4096x1024xf32, #tpu.memory_space<hbm>> -> memref<32x1024xf32, #tpu.memory_space<hbm>>
    tpu.enqueue_dma source(%dma_start3A_64 : memref<32x1024xf32, #tpu.memory_space<hbm>>) target(%arg6 : memref<32x1024xf32, #tpu.memory_space<vmem>>) target_semaphore(%arg9 : memref<!tpu.dma_semaphore, #tpu.memory_space<semaphore_mem>>)
    %dma_wait3A_65 = arith.constant 0 : i32
    %dma_wait3A_66 = tpu.memref_slice %arg2[%add3A_60, %dma_wait3A_65] : memref<4096x1024xf32, #tpu.memory_space<hbm>> -> memref<32x1024xf32, #tpu.memory_space<hbm>>
    %dma_wait3A_67 = arith.constant 0 : i32
    %dma_wait3A_68 = tpu.memref_slice %arg2[%add3A_60, %dma_wait3A_67] : memref<4096x1024xf32, #tpu.memory_space<hbm>> -> memref<32x1024xf32, #tpu.memory_space<hbm>>
    tpu.wait_dma2 semaphore(%arg9 : memref<!tpu.dma_semaphore, #tpu.memory_space<semaphore_mem>>) src(%dma_wait3A_68 : memref<32x1024xf32, #tpu.memory_space<hbm>>) dst(%arg6 : memref<32x1024xf32, #tpu.memory_space<vmem>>)
    %dma_start3A_69 = arith.constant 3 : i32
    %dma_start3A_70 = arith.constant 0 : i32
    %dma_start3A_71 = tpu.memref_slice %arg5[%dma_start3A_69, %dma_start3A_70] : memref<4x32xi32, #tpu.memory_space<vmem>> -> memref<1x32xi32, #tpu.memory_space<vmem>>
    %dma_start3A_72 = tpu.memref_squeeze %dma_start3A_71 : memref<1x32xi32, #tpu.memory_space<vmem>> -> memref<32xi32, #tpu.memory_space<vmem>>
    %dma_start3A_73 = arith.constant 0 : i32
    %dma_start3A_74 = arith.constant 0 : i32
    %dma_start3A_75 = tpu.memref_slice %arg4[%dma_start3A_73, %dma_start3A_74] : memref<4096x1024xf32, #tpu.memory_space<hbm>> -> memref<4096x1024xf32, #tpu.memory_space<hbm>>
    tpu.enqueue_indirect_dma source(%arg6 : memref<32x1024xf32, #tpu.memory_space<vmem>>) target(%dma_start3A_75 : memref<4096x1024xf32, #tpu.memory_space<hbm>>) offsets(%dma_start3A_72 : memref<32xi32, #tpu.memory_space<vmem>>) semaphore(%arg12 : memref<!tpu.dma_semaphore, #tpu.memory_space<semaphore_mem>>)
    %dma_wait3A_76 = arith.constant 1 : i32
    %dma_wait3A_77 = arith.constant 0 : i32
    %dma_wait3A_78 = tpu.memref_slice %arg5[%dma_wait3A_76, %dma_wait3A_77] : memref<4x32xi32, #tpu.memory_space<vmem>> -> memref<1x32xi32, #tpu.memory_space<vmem>>
    %dma_wait3A_79 = tpu.memref_squeeze %dma_wait3A_78 : memref<1x32xi32, #tpu.memory_space<vmem>> -> memref<32xi32, #tpu.memory_space<vmem>>
    %dma_wait3A_80 = arith.constant 0 : i32
    %dma_wait3A_81 = arith.constant 0 : i32
    %dma_wait3A_82 = tpu.memref_slice %arg4[%dma_wait3A_80, %dma_wait3A_81] : memref<4096x1024xf32, #tpu.memory_space<hbm>> -> memref<4096x1024xf32, #tpu.memory_space<hbm>>
    tpu.wait_indirect_dma semaphore(%arg12 : memref<!tpu.dma_semaphore, #tpu.memory_space<semaphore_mem>>) src(%arg7 : memref<32x1024xf32, #tpu.memory_space<vmem>>) dst(%dma_wait3A_82 : memref<4096x1024xf32, #tpu.memory_space<hbm>>)
    %dma_wait3A_83 = arith.constant 2 : i32
    %dma_wait3A_84 = arith.constant 0 : i32
    %dma_wait3A_85 = tpu.memref_slice %arg5[%dma_wait3A_83, %dma_wait3A_84] : memref<4x32xi32, #tpu.memory_space<vmem>> -> memref<1x32xi32, #tpu.memory_space<vmem>>
    %dma_wait3A_86 = tpu.memref_squeeze %dma_wait3A_85 : memref<1x32xi32, #tpu.memory_space<vmem>> -> memref<32xi32, #tpu.memory_space<vmem>>
    %dma_wait3A_87 = arith.constant 0 : i32
    %dma_wait3A_88 = arith.constant 0 : i32
    %dma_wait3A_89 = tpu.memref_slice %arg4[%dma_wait3A_87, %dma_wait3A_88] : memref<4096x1024xf32, #tpu.memory_space<hbm>> -> memref<4096x1024xf32, #tpu.memory_space<hbm>>
    tpu.wait_indirect_dma semaphore(%arg12 : memref<!tpu.dma_semaphore, #tpu.memory_space<semaphore_mem>>) src(%arg8 : memref<32x1024xf32, #tpu.memory_space<vmem>>) dst(%dma_wait3A_89 : memref<4096x1024xf32, #tpu.memory_space<hbm>>)
    %dma_wait3A_90 = arith.constant 3 : i32
    %dma_wait3A_91 = arith.constant 0 : i32
    %dma_wait3A_92 = tpu.memref_slice %arg5[%dma_wait3A_90, %dma_wait3A_91] : memref<4x32xi32, #tpu.memory_space<vmem>> -> memref<1x32xi32, #tpu.memory_space<vmem>>
    %dma_wait3A_93 = tpu.memref_squeeze %dma_wait3A_92 : memref<1x32xi32, #tpu.memory_space<vmem>> -> memref<32xi32, #tpu.memory_space<vmem>>
    %dma_wait3A_94 = arith.constant 0 : i32
    %dma_wait3A_95 = arith.constant 0 : i32
    %dma_wait3A_96 = tpu.memref_slice %arg4[%dma_wait3A_94, %dma_wait3A_95] : memref<4096x1024xf32, #tpu.memory_space<hbm>> -> memref<4096x1024xf32, #tpu.memory_space<hbm>>
    tpu.wait_indirect_dma semaphore(%arg12 : memref<!tpu.dma_semaphore, #tpu.memory_space<semaphore_mem>>) src(%arg6 : memref<32x1024xf32, #tpu.memory_space<vmem>>) dst(%dma_wait3A_96 : memref<4096x1024xf32, #tpu.memory_space<hbm>>)
    return
  }
}

module attributes {stable_mosaic.version = 14 : i64} {
  func.func @body(%arg0: i32, %arg1: memref<15xi32, #tpu.memory_space<smem>>, %arg2: memref<15xi32, #tpu.memory_space<smem>>, %arg3: memref<15xi32, #tpu.memory_space<smem>>, %arg4: memref<15xi32, #tpu.memory_space<smem>>, %arg5: memref<512x1024xf32, #tpu.memory_space<vmem>>, %arg6: memref<1x1024x512xf32, #tpu.memory_space<vmem>>, %arg7: memref<1x1x512xf32, #tpu.memory_space<vmem>>, %arg8: memref<512x256xi32, #tpu.memory_space<vmem>>, %arg9: memref<1024x512xbf16, #tpu.memory_space<vmem>>) attributes {dimension_semantics = [#tpu.dimension_semantics<arbitrary>], iteration_bounds = array<i64: 15>, scalar_prefetch = 4 : i64, scratch_operands = 1 : i64, tpu.core_type = #tpu.core_type<tc>, window_params = [{transform_indices = @transform_0, window_bounds = array<i64: 512, 1024>}, {transform_indices = @transform_1, window_bounds = array<i64: 1, 1024, 512>}, {transform_indices = @transform_2, window_bounds = array<i64: 1, 1, 512>}, {transform_indices = @transform_3, window_bounds = array<i64: 512, 256>}]} {
    %eq3A = arith.constant 0 : i32
    %eq3A_0 = arith.cmpi eq, %arg0, %eq3A : i32
    %get3A = arith.index_cast %arg0 : i32 to index
    %get3A_1 = memref.load %arg2[%get3A] : memref<15xi32, #tpu.memory_space<smem>>
    %sub3A = arith.constant 1 : i32
    %sub3A_2 = arith.subi %arg0, %sub3A : i32
    %max3A = arith.constant 0 : i32
    %max3A_3 = arith.maxsi %sub3A_2, %max3A : i32
    %get3A_4 = arith.index_cast %max3A_3 : i32 to index
    %get3A_5 = memref.load %arg2[%get3A_4] : memref<15xi32, #tpu.memory_space<smem>>
    %ne3A = arith.cmpi ne, %get3A_1, %get3A_5 : i32
    %or3A = arith.ori %eq3A_0, %ne3A : i1
    %convert_element_type3A = arith.extui %or3A : i1 to i32
    %cond3A = arith.constant 0 : i32
    %cond3A_6 = arith.cmpi ne, %convert_element_type3A, %cond3A : i32
    scf.if %cond3A_6 {
      %get3A_51 = arith.constant 0 : index
      %get3A_52 = arith.constant 0 : index
      %get3A_53 = arith.constant 0 : index
      %get3A_54 = vector.load %arg6[%get3A_51, %get3A_52, %get3A_53] : memref<1x1024x512xf32, #tpu.memory_space<vmem>>, vector<1x1024x512xf32>
      %get3A_55 = vector.shape_cast %get3A_54 : vector<1x1024x512xf32> to vector<1024x512xf32>
      %convert_element_type3A_56 = arith.truncf %get3A_55 : vector<1024x512xf32> to vector<1024x512xbf16>
      %swap3A_57 = arith.constant 0 : index
      %swap3A_58 = arith.constant 0 : index
      %swap3A_59 = vector.load %arg9[%swap3A_57, %swap3A_58] : memref<1024x512xbf16, #tpu.memory_space<vmem>>, vector<1024x512xbf16>
      tpu.vector_store %arg9[%swap3A_57, %swap3A_58], %convert_element_type3A_56 {strides = array<i32>} : memref<1024x512xbf16, #tpu.memory_space<vmem>>, vector<1024x512xbf16>,
    } else {
    }
    %get3A_7 = arith.constant 0 : index
    %get3A_8 = arith.constant 0 : index
    %get3A_9 = vector.load %arg5[%get3A_7, %get3A_8] : memref<512x1024xf32, #tpu.memory_space<vmem>>, vector<512x1024xf32>
    %convert_element_type3A_10 = arith.truncf %get3A_9 : vector<512x1024xf32> to vector<512x1024xbf16>
    %get3A_11 = arith.constant 0 : index
    %get3A_12 = arith.constant 0 : index
    %get3A_13 = vector.load %arg9[%get3A_11, %get3A_12] : memref<1024x512xbf16, #tpu.memory_space<vmem>>, vector<1024x512xbf16>
    %dot_general3A = arith.constant dense<0.000000e+00> : vector<512x512xf32>
    %dot_general3A_14 = tpu.matmul %convert_element_type3A_10, %get3A_13, %dot_general3A {dimension_numbers = #tpu.dot_dimension_numbers<[1], [0], [0], [1], [0, 0, 1, 1], [], []>, transpose_lhs_hint = false} : vector<512x1024xbf16>, vector<1024x512xbf16>, vector<512x512xf32> -> vector<512x512xf32>
    %get3A_15 = arith.constant 0 : index
    %get3A_16 = arith.constant 0 : index
    %get3A_17 = arith.constant 0 : index
    %get3A_18 = vector.load %arg7[%get3A_15, %get3A_16, %get3A_17] : memref<1x1x512xf32, #tpu.memory_space<vmem>>, vector<1x1x512xf32>
    %get3A_19 = vector.shape_cast %get3A_18 : vector<1x1x512xf32> to vector<512xf32>
    %broadcast_in_dim3A = vector.shape_cast %get3A_19 : vector<512xf32> to vector<1x512xf32>
    %add3A = vector.broadcast %broadcast_in_dim3A : vector<1x512xf32> to vector<512x512xf32>
    %add3A_20 = arith.addf %dot_general3A_14, %add3A : vector<512x512xf32>
    %max3A_21 = arith.constant 0.000000e+00 : f32
    %max3A_22 = vector.broadcast %max3A_21 : f32 to vector<512x512xf32>
    %max3A_23 = arith.maximumf %add3A_20, %max3A_22 : vector<512x512xf32>
    %convert_element_type3A_24 = arith.truncf %max3A_23 : vector<512x512xf32> to vector<512x512xbf16>
    %slice3A = vector.extract_strided_slice %convert_element_type3A_24 {offsets = [0, 0], sizes = [512, 256], strides = [1, 1]} : vector<512x512xbf16> to vector<512x256xbf16>
    %bitcast3A = tpu.bitcast %slice3A : vector<512x256xbf16> -> vector<512x256xi16>
    %convert_element_type3A_25 = arith.extui %bitcast3A : vector<512x256xi16> to vector<512x256xi32>
    %slice3A_26 = vector.extract_strided_slice %convert_element_type3A_24 {offsets = [0, 256], sizes = [512, 256], strides = [1, 1]} : vector<512x512xbf16> to vector<512x256xbf16>
    %bitcast3A_27 = tpu.bitcast %slice3A_26 : vector<512x256xbf16> -> vector<512x256xi16>
    %convert_element_type3A_28 = arith.extui %bitcast3A_27 : vector<512x256xi16> to vector<512x256xi32>
    %shift_left3A = arith.constant 16 : i32
    %shift_left3A_29 = vector.broadcast %shift_left3A : i32 to vector<512x256xi32>
    %shift_left3A_30 = arith.shli %convert_element_type3A_28, %shift_left3A_29 : vector<512x256xi32>
    %or3A_31 = arith.ori %convert_element_type3A_25, %shift_left3A_30 : vector<512x256xi32>
    %bitcast3A_32 = tpu.bitcast %or3A_31 : vector<512x256xi32> -> vector<512x256xi32>
    %get3A_33 = arith.index_cast %arg0 : i32 to index
    %get3A_34 = memref.load %arg1[%get3A_33] : memref<15xi32, #tpu.memory_space<smem>>
    %mul3A = arith.constant 512 : i32
    %mul3A_35 = arith.muli %get3A_34, %mul3A : i32
    %iota3A = tpu.iota {dimensions = array<i32: 0>} : vector<512x1xi32>
    %add3A_36 = vector.broadcast %mul3A_35 : i32 to vector<512x1xi32>
    %add3A_37 = arith.addi %add3A_36, %iota3A : vector<512x1xi32>
    %get3A_38 = arith.index_cast %arg0 : i32 to index
    %get3A_39 = memref.load %arg3[%get3A_38] : memref<15xi32, #tpu.memory_space<smem>>
    %ge3A = vector.broadcast %get3A_39 : i32 to vector<512x1xi32>
    %ge3A_40 = arith.cmpi sge, %add3A_37, %ge3A : vector<512x1xi32>
    %get3A_41 = arith.index_cast %arg0 : i32 to index
    %get3A_42 = memref.load %arg4[%get3A_41] : memref<15xi32, #tpu.memory_space<smem>>
    %lt3A = vector.broadcast %get3A_42 : i32 to vector<512x1xi32>
    %lt3A_43 = arith.cmpi slt, %add3A_37, %lt3A : vector<512x1xi32>
    %and3A = arith.andi %ge3A_40, %lt3A_43 : vector<512x1xi1>
    %get3A_44 = arith.constant 0 : index
    %get3A_45 = arith.constant 0 : index
    %get3A_46 = vector.load %arg8[%get3A_44, %get3A_45] : memref<512x256xi32, #tpu.memory_space<vmem>>, vector<512x256xi32>
    %broadcast_in_dim3A_47 = vector.shape_cast %and3A : vector<512x1xi1> to vector<512x1xi1>
    %broadcast_in_dim3A_48 = vector.broadcast %broadcast_in_dim3A_47 : vector<512x1xi1> to vector<512x256xi1>
    %select_n3A = arith.select %broadcast_in_dim3A_48, %bitcast3A_32, %get3A_46 : vector<512x256xi1>, vector<512x256xi32>
    %swap3A = arith.constant 0 : index
    %swap3A_49 = arith.constant 0 : index
    %swap3A_50 = vector.load %arg8[%swap3A, %swap3A_49] : memref<512x256xi32, #tpu.memory_space<vmem>>, vector<512x256xi32>
    tpu.vector_store %arg8[%swap3A, %swap3A_49], %select_n3A {strides = array<i32>} : memref<512x256xi32, #tpu.memory_space<vmem>>, vector<512x256xi32>,
    return
  }
  func.func @transform_0(%arg0: i32, %arg1: memref<15xi32, #tpu.memory_space<smem>>, %arg2: memref<15xi32, #tpu.memory_space<smem>>, %arg3: memref<15xi32, #tpu.memory_space<smem>>, %arg4: memref<15xi32, #tpu.memory_space<smem>>) -> (i32, i32) {
    %get3A = arith.index_cast %arg0 : i32 to index
    %get3A_0 = memref.load %arg1[%get3A] : memref<15xi32, #tpu.memory_space<smem>>
    %c0_i32 = arith.constant 0 : i32
    %c0_i32_1 = arith.constant 0 : i32
    return %get3A_0, %c0_i32 : i32, i32
  }
  func.func @transform_1(%arg0: i32, %arg1: memref<15xi32, #tpu.memory_space<smem>>, %arg2: memref<15xi32, #tpu.memory_space<smem>>, %arg3: memref<15xi32, #tpu.memory_space<smem>>, %arg4: memref<15xi32, #tpu.memory_space<smem>>) -> (i32, i32, i32) {
    %get3A = arith.index_cast %arg0 : i32 to index
    %get3A_0 = memref.load %arg2[%get3A] : memref<15xi32, #tpu.memory_space<smem>>
    %c0_i32 = arith.constant 0 : i32
    %c0_i32_1 = arith.constant 0 : i32
    %c0_i32_2 = arith.constant 0 : i32
    return %get3A_0, %c0_i32, %c0_i32_1 : i32, i32, i32
  }
  func.func @transform_2(%arg0: i32, %arg1: memref<15xi32, #tpu.memory_space<smem>>, %arg2: memref<15xi32, #tpu.memory_space<smem>>, %arg3: memref<15xi32, #tpu.memory_space<smem>>, %arg4: memref<15xi32, #tpu.memory_space<smem>>) -> (i32, i32, i32) {
    %get3A = arith.index_cast %arg0 : i32 to index
    %get3A_0 = memref.load %arg2[%get3A] : memref<15xi32, #tpu.memory_space<smem>>
    %c0_i32 = arith.constant 0 : i32
    %c0_i32_1 = arith.constant 0 : i32
    %c0_i32_2 = arith.constant 0 : i32
    return %get3A_0, %c0_i32, %c0_i32_1 : i32, i32, i32
  }
  func.func @transform_3(%arg0: i32, %arg1: memref<15xi32, #tpu.memory_space<smem>>, %arg2: memref<15xi32, #tpu.memory_space<smem>>, %arg3: memref<15xi32, #tpu.memory_space<smem>>, %arg4: memref<15xi32, #tpu.memory_space<smem>>) -> (i32, i32) {
    %get3A = arith.index_cast %arg0 : i32 to index
    %get3A_0 = memref.load %arg1[%get3A] : memref<15xi32, #tpu.memory_space<smem>>
    %c0_i32 = arith.constant 0 : i32
    %c0_i32_1 = arith.constant 0 : i32
    return %get3A_0, %c0_i32 : i32, i32
  }
}

module attributes {stable_mosaic.version = 14 : i64} {
  func.func @body(%arg0: i32, %arg1: memref<1024x256xi32, #tpu.memory_space<vmem>>, %arg2: memref<1024x1024xf32, #tpu.memory_space<vmem>>, %arg3: memref<512x1024xf32, #tpu.memory_space<vmem>>, %arg4: memref<1x1024xf32, #tpu.memory_space<vmem>>, %arg5: memref<1024x1024xf32, #tpu.memory_space<vmem>>, %arg6: memref<1x1xf32, #tpu.memory_space<smem>>, %arg7: memref<512x1024xbf16, #tpu.memory_space<vmem>>, %arg8: memref<1x1024xf32, #tpu.memory_space<vmem>>) attributes {dimension_semantics = [#tpu.dimension_semantics<arbitrary>], iteration_bounds = array<i64: 4>, scalar_prefetch = 0 : i64, scratch_operands = 2 : i64, tpu.core_type = #tpu.core_type<tc>, window_params = [{transform_indices = @transform_0, window_bounds = array<i64: 1024, 256>}, {transform_indices = @transform_1, window_bounds = array<i64: 1024, 1024>}, {pipeline_mode = #tpu.pipeline_mode<synchronous>, transform_indices = @transform_2, window_bounds = array<i64: 512, 1024>}, {pipeline_mode = #tpu.pipeline_mode<synchronous>, transform_indices = @transform_3, window_bounds = array<i64: 1, 1024>}, {transform_indices = @transform_4, window_bounds = array<i64: 1024, 1024>}, {transform_indices = @transform_5, window_bounds = array<i64: 1, 1>}]} {
    %eq3A = arith.constant 0 : i32
    %eq3A_0 = arith.cmpi eq, %arg0, %eq3A : i32
    %convert_element_type3A = arith.extui %eq3A_0 : i1 to i32
    %cond3A = arith.constant 0 : i32
    %cond3A_1 = arith.cmpi ne, %convert_element_type3A, %cond3A : i32
    scf.if %cond3A_1 {
      %get3A_46 = arith.constant 0 : index
      %get3A_47 = arith.constant 0 : index
      %get3A_48 = vector.load %arg3[%get3A_46, %get3A_47] : memref<512x1024xf32, #tpu.memory_space<vmem>>, vector<512x1024xf32>
      %convert_element_type3A_49 = arith.truncf %get3A_48 : vector<512x1024xf32> to vector<512x1024xbf16>
      %swap3A_50 = arith.constant 0 : index
      %swap3A_51 = arith.constant 0 : index
      %swap3A_52 = vector.load %arg7[%swap3A_50, %swap3A_51] : memref<512x1024xbf16, #tpu.memory_space<vmem>>, vector<512x1024xbf16>
      tpu.vector_store %arg7[%swap3A_50, %swap3A_51], %convert_element_type3A_49 {strides = array<i32>} : memref<512x1024xbf16, #tpu.memory_space<vmem>>, vector<512x1024xbf16>,
      %broadcast_in_dim3A_53 = arith.constant 0.000000e+00 : f32
      %broadcast_in_dim3A_54 = vector.broadcast %broadcast_in_dim3A_53 : f32 to vector<1x1024xf32>
      %swap3A_55 = arith.constant 0 : index
      %swap3A_56 = arith.constant 0 : index
      %swap3A_57 = vector.load %arg8[%swap3A_55, %swap3A_56] : memref<1x1024xf32, #tpu.memory_space<vmem>>, vector<1x1024xf32>
      tpu.vector_store %arg8[%swap3A_55, %swap3A_56], %broadcast_in_dim3A_54 {strides = array<i32>} : memref<1x1024xf32, #tpu.memory_space<vmem>>, vector<1x1024xf32>,
    } else {
    }
    %get3A = arith.constant 0 : index
    %get3A_2 = arith.constant 0 : index
    %get3A_3 = vector.load %arg1[%get3A, %get3A_2] : memref<1024x256xi32, #tpu.memory_space<vmem>>, vector<1024x256xi32>
    %bitcast3A = tpu.bitcast %get3A_3 : vector<1024x256xi32> -> vector<1024x256xi32>
    %and3A = arith.constant 65535 : i32
    %and3A_4 = vector.broadcast %and3A : i32 to vector<1024x256xi32>
    %and3A_5 = arith.andi %bitcast3A, %and3A_4 : vector<1024x256xi32>
    %convert_element_type3A_6 = arith.trunci %and3A_5 : vector<1024x256xi32> to vector<1024x256xi16>
    %bitcast3A_7 = tpu.bitcast %convert_element_type3A_6 : vector<1024x256xi16> -> vector<1024x256xbf16>
    %shift_right_logical3A = arith.constant 16 : i32
    %shift_right_logical3A_8 = vector.broadcast %shift_right_logical3A : i32 to vector<1024x256xi32>
    %shift_right_logical3A_9 = arith.shrui %bitcast3A, %shift_right_logical3A_8 : vector<1024x256xi32>
    %convert_element_type3A_10 = arith.trunci %shift_right_logical3A_9 : vector<1024x256xi32> to vector<1024x256xi16>
    %bitcast3A_11 = tpu.bitcast %convert_element_type3A_10 : vector<1024x256xi16> -> vector<1024x256xbf16>
    %get3A_12 = arith.constant 0 : index
    %get3A_13 = arith.constant 0 : index
    %get3A_14 = vector.load %arg7[%get3A_12, %get3A_13] : memref<512x1024xbf16, #tpu.memory_space<vmem>>, vector<256x1024xbf16>
    %dot_general3A = arith.constant dense<0.000000e+00> : vector<1024x1024xf32>
    %dot_general3A_15 = tpu.matmul %bitcast3A_7, %get3A_14, %dot_general3A {dimension_numbers = #tpu.dot_dimension_numbers<[1], [0], [0], [1], [0, 0, 1, 1], [], []>, transpose_lhs_hint = false} : vector<1024x256xbf16>, vector<256x1024xbf16>, vector<1024x1024xf32> -> vector<1024x1024xf32>
    %get3A_16 = arith.constant 256 : index
    %get3A_17 = arith.constant 0 : index
    %get3A_18 = vector.load %arg7[%get3A_16, %get3A_17] : memref<512x1024xbf16, #tpu.memory_space<vmem>>, vector<256x1024xbf16>
    %dot_general3A_19 = arith.constant dense<0.000000e+00> : vector<1024x1024xf32>
    %dot_general3A_20 = tpu.matmul %bitcast3A_11, %get3A_18, %dot_general3A_19 {dimension_numbers = #tpu.dot_dimension_numbers<[1], [0], [0], [1], [0, 0, 1, 1], [], []>, transpose_lhs_hint = false} : vector<1024x256xbf16>, vector<256x1024xbf16>, vector<1024x1024xf32> -> vector<1024x1024xf32>
    %add3A = arith.addf %dot_general3A_15, %dot_general3A_20 : vector<1024x1024xf32>
    %get3A_21 = arith.constant 0 : index
    %get3A_22 = arith.constant 0 : index
    %get3A_23 = vector.load %arg4[%get3A_21, %get3A_22] : memref<1x1024xf32, #tpu.memory_space<vmem>>, vector<1x1024xf32>
    %get3A_24 = vector.shape_cast %get3A_23 : vector<1x1024xf32> to vector<1024xf32>
    %broadcast_in_dim3A = vector.shape_cast %get3A_24 : vector<1024xf32> to vector<1x1024xf32>
    %add3A_25 = vector.broadcast %broadcast_in_dim3A : vector<1x1024xf32> to vector<1024x1024xf32>
    %add3A_26 = arith.addf %add3A, %add3A_25 : vector<1024x1024xf32>
    %swap3A = arith.constant 0 : index
    %swap3A_27 = arith.constant 0 : index
    %swap3A_28 = vector.load %arg5[%swap3A, %swap3A_27] : memref<1024x1024xf32, #tpu.memory_space<vmem>>, vector<1024x1024xf32>
    tpu.vector_store %arg5[%swap3A, %swap3A_27], %add3A_26 {strides = array<i32>} : memref<1024x1024xf32, #tpu.memory_space<vmem>>, vector<1024x1024xf32>,
    %get3A_29 = arith.constant 0 : index
    %get3A_30 = arith.constant 0 : index
    %get3A_31 = vector.load %arg2[%get3A_29, %get3A_30] : memref<1024x1024xf32, #tpu.memory_space<vmem>>, vector<1024x1024xf32>
    %sub3A = arith.subf %add3A_26, %get3A_31 : vector<1024x1024xf32>
    %get3A_32 = arith.constant 0 : index
    %get3A_33 = arith.constant 0 : index
    %get3A_34 = vector.load %arg8[%get3A_32, %get3A_33] : memref<1x1024xf32, #tpu.memory_space<vmem>>, vector<1x1024xf32>
    %mul3A = arith.mulf %sub3A, %sub3A : vector<1024x1024xf32>
    %reduce_sum3A = arith.constant dense<0.000000e+00> : vector<1024xf32>
    %reduce_sum3A_35 = vector.multi_reduction <add>, %mul3A, %reduce_sum3A [0] : vector<1024x1024xf32> to vector<1024xf32>
    %broadcast_in_dim3A_36 = vector.shape_cast %reduce_sum3A_35 : vector<1024xf32> to vector<1x1024xf32>
    %add3A_37 = arith.addf %get3A_34, %broadcast_in_dim3A_36 : vector<1x1024xf32>
    %swap3A_38 = arith.constant 0 : index
    %swap3A_39 = arith.constant 0 : index
    %swap3A_40 = vector.load %arg8[%swap3A_38, %swap3A_39] : memref<1x1024xf32, #tpu.memory_space<vmem>>, vector<1x1024xf32>
    tpu.vector_store %arg8[%swap3A_38, %swap3A_39], %add3A_37 {strides = array<i32>} : memref<1x1024xf32, #tpu.memory_space<vmem>>, vector<1x1024xf32>,
    %eq3A_41 = arith.constant 3 : i32
    %eq3A_42 = arith.cmpi eq, %arg0, %eq3A_41 : i32
    %convert_element_type3A_43 = arith.extui %eq3A_42 : i1 to i32
    %cond3A_44 = arith.constant 0 : i32
    %cond3A_45 = arith.cmpi ne, %convert_element_type3A_43, %cond3A_44 : i32
    scf.if %cond3A_45 {
      %get3A_46 = arith.constant 0 : index
      %get3A_47 = arith.constant 0 : index
      %get3A_48 = vector.load %arg8[%get3A_46, %get3A_47] : memref<1x1024xf32, #tpu.memory_space<vmem>>, vector<1x1024xf32>
      %reduce_sum3A_49 = vector.shape_cast %get3A_48 : vector<1x1024xf32> to vector<1x1x1024xf32>
      %reduce_sum3A_50 = arith.constant dense<0.000000e+00> : vector<1xf32>
      %reduce_sum3A_51 = vector.multi_reduction <add>, %reduce_sum3A_49, %reduce_sum3A_50 [1, 2] : vector<1x1x1024xf32> to vector<1xf32>
      %reduce_sum3A_52 = vector.shape_cast %reduce_sum3A_51 : vector<1xf32> to vector<1x1x1xf32>
      %reduce_sum3A_53 = vector.extract %reduce_sum3A_52[0, 0, 0] : f32 from vector<1x1x1xf32>
      %mul3A_54 = arith.constant 2.38418579E-7 : f32
      %mul3A_55 = arith.mulf %reduce_sum3A_53, %mul3A_54 : f32
      %swap3A_56 = arith.constant 0 : index
      %swap3A_57 = arith.constant 0 : index
      %swap3A_58 = memref.load %arg6[%swap3A_56, %swap3A_57] : memref<1x1xf32, #tpu.memory_space<smem>>
      memref.store %mul3A_55, %arg6[%swap3A_56, %swap3A_57] : memref<1x1xf32, #tpu.memory_space<smem>>
    } else {
    }
    return
  }
  func.func @transform_0(%arg0: i32) -> (i32, i32) {
    %c0_i32 = arith.constant 0 : i32
    %c0_i32_0 = arith.constant 0 : i32
    return %arg0, %c0_i32 : i32, i32
  }
  func.func @transform_1(%arg0: i32) -> (i32, i32) {
    %c0_i32 = arith.constant 0 : i32
    %c0_i32_0 = arith.constant 0 : i32
    return %arg0, %c0_i32 : i32, i32
  }
  func.func @transform_2(%arg0: i32) -> (i32, i32) {
    %c0_i32 = arith.constant 0 : i32
    %c0_i32_0 = arith.constant 0 : i32
    %c0_i32_1 = arith.constant 0 : i32
    return %c0_i32, %c0_i32_0 : i32, i32
  }
  func.func @transform_3(%arg0: i32) -> (i32, i32) {
    %c0_i32 = arith.constant 0 : i32
    %c0_i32_0 = arith.constant 0 : i32
    %c0_i32_1 = arith.constant 0 : i32
    return %c0_i32, %c0_i32_0 : i32, i32
  }
  func.func @transform_4(%arg0: i32) -> (i32, i32) {
    %c0_i32 = arith.constant 0 : i32
    %c0_i32_0 = arith.constant 0 : i32
    return %arg0, %c0_i32 : i32, i32
  }
  func.func @transform_5(%arg0: i32) -> (i32, i32) {
    %c0_i32 = arith.constant 0 : i32
    %c0_i32_0 = arith.constant 0 : i32
    %c0_i32_1 = arith.constant 0 : i32
    return %c0_i32, %c0_i32_0 : i32, i32
  }
}

</mosaic_0001>

<sc_bundles>
// kernel: kernel.6.cloned.1.call-start
scs
__scs_entry_jumppad:
0x0: {  	(pc) =	sbr.rel $0x88, $3  }
0x1: {  	(tag) =	ssettag $0x0;
	lr =	simm.s32 $0x1  }
0x2: {  	[smem:$0x3F9B] =	sst lr;
	_ =	strace $0xD0000000  }
0x3: {  	_ = 	snop  }
0x4: {  	_ = 	snop  }
0x5: {  	_ = 	snop  }
0x6: {  	_ = 	snop  }
0x7: {  	_ = 	snop  }
__scs_overlays_trampoline_lowered:
0x8: {  	[smem:$0x3FAA] =	sst s0  }
0x9: {  	[smem:$0x3FAB] =	sst s1  }
0xa: {  	[smem:$0x3FAC] =	sst s2  }
0xb: {  	[smem:$0x3FAD] =	sst s3  }
0xc: {  	[smem:$0x3FAE] =	sst s4  }
0xd: {  	[smem:$0x3FAF] =	sst s5  }
0xe: {  	[smem:$0x3FB0] =	sst s6  }
0xf: {  	[smem:$0x3FB1] =	sst s7  }
0x10: {  	[smem:$0x3FB2] =	sst s8  }
0x11: {  	[smem:$0x3FB3] =	sst s9;
	s0 =	simm.s32 @!p0 $0x0  }
0x12: {  	s1 =	sld [smem:$0x3F99];
	s0 =	simm.s32 @p0 $0x1  }
0x13: {  	[smem:$0x3FB4] =	sst s0;
	s0 =	simm.s32 @!p1 $0x0  }
0x14: {  	s2 =	sld [smem:$0x3F98];
	s0 =	simm.s32 @p1 $0x1  }
0x15: {  	[smem:$0x3FB5] =	sst s0;
	s0 =	simm.s32 @!p2 $0x0  }
0x16: {  	s3 =	sld [smem:$0x3FDB];
	s0 =	simm.s32 @p2 $0x1  }
0x17: {  	s4 =	simm.s32 $0x1BF5;
	[smem:$0x3FB7] =	sst s0  }
0x18: {  	s0 =	sld [smem:$0x3F9A];
	_ =	swait.ge [sflag:s4], $0x0  }
0x19: {  	s7 =	sld [smem:$0x3F9B]  }
0x1a: {  	s8 =	sadd.s32 $0xFFFFE003, lr  }
0x1b: {  	s9 =	sadd.s32 $0xFFFFFEF7, lr;
	s5 =	simm.s32 $0xFFFFFFFF;
	p2 =	slt.u32 s8, $0xFFFFF086  }
0x1c: {  	p1 =	slt.u32 s9, $0xF7A;
	s5 =	simm.s32 @!p2 $0x0  }
0x1d: {  	s5 =	simm.s32 @p1 $0x1;
	p0 =	seq.s32 s7, s2  }
0x1e: {  	s7 =	smul.u32 @!p0 $0xF7A, s2;
	p2 =	seq.s32 @!p0 s5, $0x0  }
0x1f: {  	s9 =	smul.u32 $0xF7A, s1;
	s8 =	simm.s32 @!p0 $0x1BF5;
	p2 =	por !p2, p0  }
0x20: {  	[sflag:s8] =	ssyncset.s32 @!p0 $0xFFFFF086;
	s6 =	sadd.s32 @!p0 s3, s7;
	s7 =	simm.s32 @!p0 $0x108  }
0x21: {  	s3 =	sadd.s32 s3, s9;
	s6 =	sadd.s32 @!p0 $0x88, s6;
	s7 =	simm.s32 @p2 $0x1082  }
0x22: {  	[simem:s7], [sflag:s8] =	dma.local @!p0 [hbm:s6], $0xF7A  }
0x23: {  	s9 =	sor.u32 $0xD0000000, s2;
	s6 =	simm.s32 $0x108;
	_ =	swait.ge @!p0 [sflag:s8], $0x0  }
0x24: {  	s3 =	sadd.s32 $0x88, s3;
	s6 =	simm.s32 @!p1 $0x1082;
	[sflag:s4] =	ssyncset.s32 $0xFFFFF086  }
0x25: {  	[simem:s6], [sflag:s4] =	dma.local [hbm:s3], $0xF7A  }
0x26: {  	[smem:$0x3F9B] =	sst s1;
	(tag) =	ssettag s2;
	_ =	strace s9  }
0x27: {  	s1 =	sld [smem:$0x3FAB]  }
0x28: {  	s2 =	sld [smem:$0x3FAC]  }
0x29: {  	s4 =	sld [smem:$0x3FAE]  }
0x2a: {  	p0 =	seq.s32 s5, $0x0;
	s5 =	sld [smem:$0x3FAF]  }
0x2b: {  	s6 =	sld [smem:$0x3FB0]  }
0x2c: {  	s7 =	sld [smem:$0x3FB1]  }
0x2d: {  	s3 =	simm.s32 $0x108;
	s8 =	sld [smem:$0x3FB2]  }
0x2e: {  	s3 =	simm.s32 @!p0 $0x1082;
	s9 =	sld [smem:$0x3FB3]  }
0x2f: {  	lr =	sadd.s32 s0, s3;
	s0 =	sld [smem:$0x3FAA]  }
0x30: {  	s3 =	sld [smem:$0x3FAD]  }
0x31: {  	[smem:$0x3FB6] =	sst s10  }
0x32: {  	s10 =	sld [smem:$0x3FB4];
	_ =	sdelay $0x3  }
0x33: {  	p0 =	seq.s32 s10, $0x1;
	s10 =	sld [smem:$0x3FB6];
	_ =	sdelay $0x3  }
0x34: {  	[smem:$0x3FB6] =	sst s10  }
0x35: {  	s10 =	sld [smem:$0x3FB5];
	_ =	sdelay $0x3  }
0x36: {  	p1 =	seq.s32 s10, $0x1;
	s10 =	sld [smem:$0x3FB6];
	_ =	sdelay $0x3  }
0x37: {  	[smem:$0x3FB6] =	sst s10  }
0x38: {  	s10 =	sld [smem:$0x3FB7]  }
0x39: {  	_ = 	snop;
	(pc) =	sbr.ind lr, $3  }
0x3a: {  	_ = 	snop  }
0x3b: {  	_ = 	snop  }
0x3c: {  	p2 =	seq.s32 s10, $0x1;
	s10 =	sld [smem:$0x3FB6]  }
0x3d: {  	_ =	shalt  }
0x3e: {  	_ =	shalt  }
0x3f: {  	_ =	shalt  }
0x40: {  	_ =	shalt  }
0x41: {  	_ =	shalt  }
0x42: {  	_ =	shalt  }
0x43: {  	_ =	shalt  }
0x44: {  	_ =	shalt  }
0x45: {  	_ =	shalt  }
0x46: {  	_ =	shalt  }
0x47: {  	_ =	shalt  }
0x48: {  	_ =	shalt  }
0x49: {  	_ =	shalt  }
0x4a: {  	_ =	shalt  }
0x4b: {  	_ =	shalt  }
0x4c: {  	_ =	shalt  }
0x4d: {  	_ =	shalt  }
0x4e: {  	_ =	shalt  }
0x4f: {  	_ =	shalt  }
0x50: {  	_ =	shalt  }
0x51: {  	_ =	shalt  }
0x52: {  	_ =	shalt  }
0x53: {  	_ =	shalt  }
0x54: {  	_ =	shalt  }
0x55: {  	_ =	shalt  }
0x56: {  	_ =	shalt  }
0x57: {  	_ =	shalt  }
0x58: {  	_ =	shalt  }
0x59: {  	_ =	shalt  }
0x5a: {  	_ =	shalt  }
0x5b: {  	_ =	shalt  }
0x5c: {  	_ =	shalt  }
0x5d: {  	_ =	shalt  }
0x5e: {  	_ =	shalt  }
0x5f: {  	_ =	shalt  }
0x60: {  	_ =	shalt  }
0x61: {  	_ =	shalt  }
0x62: {  	_ =	shalt  }
0x63: {  	_ =	shalt  }
0x64: {  	_ =	shalt  }
0x65: {  	_ =	shalt  }
0x66: {  	_ =	shalt  }
0x67: {  	_ =	shalt  }
0x68: {  	_ =	shalt  }
0x69: {  	_ =	shalt  }
0x6a: {  	_ =	shalt  }
0x6b: {  	_ =	shalt  }
0x6c: {  	_ =	shalt  }
0x6d: {  	_ =	shalt  }
0x6e: {  	_ =	shalt  }
0x6f: {  	_ =	shalt  }
0x70: {  	_ =	shalt  }
0x71: {  	_ =	shalt  }
0x72: {  	_ =	shalt  }
0x73: {  	_ =	shalt  }
0x74: {  	_ =	shalt  }
0x75: {  	_ =	shalt  }
0x76: {  	_ =	shalt  }
0x77: {  	_ =	shalt  }
0x78: {  	_ =	shalt  }
0x79: {  	_ =	shalt  }
0x7a: {  	_ =	shalt  }
0x7b: {  	_ =	shalt  }
0x7c: {  	_ =	shalt  }
0x7d: {  	_ =	shalt  }
0x7e: {  	_ =	shalt  }
0x7f: {  	_ =	shalt  }
0x80: {  	_ =	shalt  }
0x81: {  	_ =	shalt  }
0x82: {  	_ =	shalt  }
0x83: {  	_ =	shalt  }
0x84: {  	_ =	shalt  }
0x85: {  	_ =	shalt  }
0x86: {  	_ =	shalt  }
0x87: {  	_ =	shalt  }
.Lfunc_end0:
.L_simem_size_0:
called_computation_lowered:
.L_overlay_start_0:
0x88: {  	s2 =	sld [smem:$0x3FD9]  }
0x89: {  	s3 =	sld [smem:$0x3FFE];
	_ =	sdelay $0x1  }
0x8a: {  	s1 =	srdreg.scid  }
0x8b: {  	s0 =	sand.u32 $0x1, s1  }
0x8c: {  	s14 =	sshll.u32 s0, $0xA;
	s2 =	sadd.s32 s3, s2  }
0x8d: {  	s2 =	sadd.s32 s2, s14  }
0x8e: {  	[smem:$0x3FC2] =	sst s2  }
0x8f: {  	_ = 	snop  }
0x90: {  	s2 =	sld [smem:$0x3FD0];
	_ =	sdelay $0x2  }
0x91: {  	s4 =	simm.s32 $0xA;
	s5 =	simm.s32 $0x10;
	s15 =	sld [smem:$0x3FC9]  }
0x92: {  	[smem:s5], [sflag:s4] =	dma.local [hbm:s2], $0x1  }
0x93: {  	_ =	swait.eq [sflag:s4], $0x1  }
0x94: {  	[sflag:s4] =	ssyncset.done $0x0  }
0x95: {  	[sflag:s4] =	ssyncadd.s32 $0xFFFFFFFF  }
0x96: {  	s16 =	sld [smem:$0x11];
	(tm) =	ssettm $0x1  }
0x97: {  	s17 =	sld [smem:$0x3FFB];
	_ =	sdelay $0x3  }
0x98: {  	_ =	strace s17  }
0x99: {  	s4 =	sld [smem:$0x3FFC];
	_ =	sdelay $0x3  }
0x9a: {  	_ =	strace s4  }
0x9b: {  	s4 =	sld [smem:$0x3FFD];
	_ =	sdelay $0x3  }
0x9c: {  	_ =	strace s4  }
0x9d: {  	_ =	strace $0x8FFFFFFF  }
0x9e: {  	s18 =	sld [smem:$0x3FDB];
	_ =	sdelay $0x1  }
0x9f: {  	s19 =	simm.s32 $_scs_section_size  }
0xa0: {  	s6 =	simm.s32 $_size__tile_overlayer_lowered;
	s7 =	simm.s32 $_tile_overlayer_lowered  }
0xa1: {  	s22 =	simm.s32 $0x1BFF;
	s21 =	sshll.u32 s7, $0x1;
	s4 =	sadd.s32 s19, s18  }
0xa2: {  	s8 =	simm.s32 $0x0;
	s20 =	sshll.u32 s6, $0x1;
	s6 =	sadd.s32 s21, s4  }
0xa3: {  	[timem:s8], [sflag:s22] =	dma.local [hbm:s6], s20  }
0xa4: {  	_ =	swait.ge [sflag:s22], s20  }
0xa5: {  	s5 =	ssub.s32 $0x0, s20;
	[sflag:s22] =	ssyncset.done $0x0  }
0xa6: {  	[sflag:s22] =	ssyncadd.s32 s5;
	_ =	sdelay $0x1  }
0xa7: {  	s23 =	simm.s32 $0x1B8B  }
0xa8: {  	_ =	swait.ge [sflag:s23], $0x1  }
0xa9: {  	[sflag:s23] =	ssyncset.done $0x0  }
0xaa: {  	s25 =	simm.s32 $0x1B8E;
	s24 =	sld [smem:$0x3FFE];
	[sflag:s23] =	ssyncadd.s32 $0xFFFFFFFF  }
0xab: {  	s26 =	simm.s32 $execute0_lowered;
	[smem:$0x3FD2] =	sst s25  }
0xac: {  	s6 =	sshll.u32 s26, $0x1;
	_ =	strace $0x80000046;
	[dreg:$0x1] =	wrdreg $0xFFFFFFFF  }
0xad: {  	s28 =	simm.s32 $_size_execute0_lowered;
	s4 =	sadd.s32 s4, s6;
	[dreg:$0x0] =	wrdreg $0x0  }
0xae: {  	s6 =	sshll.u32 s28, $0x1;
	[dreg:$0x2] =	wrdreg s4  }
0xaf: {  	[dreg:$0x3] =	wrdreg s6  }
0xb0: {  	[dreg:$0x4] =	wrdreg $0xC0  }
0xb1: {  	_ =	task [dreg:s8], $0x5FFFF  }
0xb2: {  	[dreg:$0x1] =	wrdreg $0xFFFFFFFF  }
0xb3: {  	[dreg:$0x0] =	wrdreg $0x60  }
0xb4: {  	[dreg:$0x2] =	wrdreg s15  }
0xb5: {  	[dreg:$0x3] =	wrdreg s24  }
0xb6: {  	[dreg:$0x4] =	wrdreg s16  }
0xb7: {  	[dreg:$0x5] =	wrdreg $0x9  }
0xb8: {  	_ =	task.clear_ibuf [dreg:s8], $0x6FFFF;
	_ =	strace $0x90000046  }
0xb9: {  	s29 =	simm.s32 $0x9;
	_ =	strace $0x80000048  }
0xba: {  	_ =	swait.ge [sflag:s29], $0x1  }
0xbb: {  	[sflag:s29] =	ssyncadd.s32 $0xFFFFFFFF  }
0xbc: {  	_ =	strace $0x90000048  }
0xbd: {  	_ =	sfence  }
0xbe: {  	s30 =	sld [smem:$0x0];
	_ =	sdelay $0x2  }
0xbf: {  	s31 =	sshll.u32 s1, $0xD;
	s1 =	sshrl.u32 s1, $0x2  }
0xc0: {  	s3 =	sand.u32 $0x4000, s31;
	s1 =	sadd.s32 s1, s30  }
0xc1: {  	s0 =	sor.u32 s3, s0;
	s1 =	sshll.u32 s1, $0x11  }
0xc2: {  	s0 =	sor.u32 s1, s0  }
0xc3: {  	s0 =	sadd.s32 $0x8F2B, s0  }
0xc4: {  	[sflag:s0] =	ssyncadd.remote.s32 $0x1  }
0xc5: {  	_ =	sfence.sel $0xFFFF  }
0xc6: {  	[dreg:$0x0] =	wrdreg $0xFFFFFFFF;
	(pc) =	sbr.abs _section_cstart, $3  }
0xc7: {  	[dreg:$0x1] =	wrdreg $0xFFFFFFFF  }
0xc8: {  	_ =	task.clear_ibuf [dreg:s8], $0x2FFFF;
	_ =	strace $0x9FFFFFFF  }
0xc9: {  	(tm) =	ssettm $0x7FFFFFFF  }
tec
execute0_lowered:
.L_overlay_start_1:
0x0: {  	(tag) =	ssettag $0x1  }
0x1: {  	s1 =	rddreg [dreg:$0x0]  }
0x2: {  	s4 =	rddreg [dreg:$0x1];
	s3 =	srdreg.scid  }
0x3: {  	s2 =	rddreg [dreg:$0x2];
	s5 =	sand.u32 $0x1, s3;
	s3 =	simm.s32 $0x0  }
0x4: {  	s18 =	simm.s32 $0x8A00;
	[smem:$0x7FF] =	sst s3  }
0x5: {  	s19 =	simm.s32 $0x9200;
	_ =	strace $0x80000047;
	[dreg:$0x8] =	wrdreg s18  }
0x6: {  	s0 =	stileid.u32;
	s20 =	simm.s32 $0x9A00;
	[dreg:$0x9] =	wrdreg s19  }
0x7: {  	s21 =	simm.s32 $0xA200;
	s22 =	simm.s32 $0xAA00;
	[dreg:$0xa] =	wrdreg s20  }
0x8: {  	s23 =	simm.s32 $0xB200;
	s24 =	simm.s32 $0xBA00;
	[dreg:$0xb] =	wrdreg s21  }
0x9: {  	s25 =	simm.s32 $0xC200;
	s26 =	simm.s32 $0xCA00;
	[dreg:$0xc] =	wrdreg s22  }
0xa: {  	s9 =	simm.s32 $0xEA00;
	s10 =	simm.s32 $0xF200;
	[dreg:$0xd] =	wrdreg s23  }
0xb: {  	s11 =	simm.s32 $0xFA00;
	s12 =	simm.s32 $0x10A00;
	[dreg:$0xe] =	wrdreg s24  }
0xc: {  	s13 =	simm.s32 $0x11200;
	s14 =	simm.s32 $0x11A00;
	[dreg:$0xf] =	wrdreg s25  }
0xd: {  	s28 =	simm.s32 $0x7200;
	s29 =	simm.s32 $0x7A00;
	[dreg:$0x10] =	wrdreg s26  }
0xe: {  	s30 =	simm.s32 $0x2;
	s6 =	sshll.u32 s0, $0x1;
	[dreg:$0x14] =	wrdreg s9  }
0xf: {  	s31 =	simm.s32 $0x3;
	s6 =	sor.u32 s5, s6;
	[dreg:$0x15] =	wrdreg s10  }
0x10: {  	s5 =	ssub.s32 $0x2, s5;
	s7 =	sshll.u32 s6, $0x6;
	[dreg:$0x16] =	wrdreg s11  }
0x11: {  	s6 =	sshll.u32 s6, $0xE;
	s0 =	sshrl.u32 s5, $0x1;
	[dreg:$0x17] =	wrdreg s12  }
0x12: {  	s9 =	simm.s32 $0x5;
	s10 =	simm.s32 $0x200;
	[dreg:$0x18] =	wrdreg s13  }
0x13: {  	s11 =	simm.s32 $0x8200;
	[dreg:$0x19] =	wrdreg s14;
	s18 =	simm.s32 $0x13A00  }
0x14: {  	s12 =	simm.s32 $0x10200;
	s19 =	simm.s32 $0x14200;
	[dreg:$0x1d] =	wrdreg s18  }
0x15: {  	s13 =	simm.s32 $0x1;
	s20 =	simm.s32 $0x14A00;
	[dreg:$0x1e] =	wrdreg s19  }
0x16: {  	s14 =	simm.s32 $0xA00;
	s21 =	simm.s32 $0x15200;
	[dreg:$0x1f] =	wrdreg s20  }
0x17: {  	s22 =	simm.s32 $0x15A00;
	s23 =	simm.s32 $0x16200;
	[smem:$0x7F8] =	sst s21  }
0x18: {  	s24 =	simm.s32 $0x16A00;
	s25 =	simm.s32 $0x17200;
	[smem:$0x7F9] =	sst s22  }
0x19: {  	s26 =	simm.s32 $0x17A00;
	s7 =	sadd.s32 s4, s7;
	[smem:$0x7FA] =	sst s23  }
0x1a: {  	s15 =	sadd.s32 s1, s6;
	s4 =	simm.s32 $0xD200;
	[smem:$0x7FB] =	sst s24  }
0x1b: {  	s8 =	ssub.s32 s5, s0;
	s6 =	simm.s32 $0xDA00;
	[smem:$0x7FC] =	sst s25  }
0x1c: {  	s5 =	sadd.s32 $0x100, s2;
	s18 =	simm.s32 $0x2A00;
	[smem:$0x7FD] =	sst s26  }
0x1d: {  	s19 =	simm.s32 $0x3200;
	s20 =	simm.s32 $0x3A00;
	[dreg:$0x4] =	wrdreg s7  }
0x1e: {  	s21 =	simm.s32 $0x4200;
	s22 =	simm.s32 $0x4A00;
	[smem:$0x7F7] =	sst s15  }
0x1f: {  	s23 =	simm.s32 $0x5200;
	s24 =	simm.s32 $0x5A00;
	[dreg:$0x11] =	wrdreg s4  }
0x20: {  	s25 =	simm.s32 $0x6200;
	s1 =	sadd.s32 $0x1000, s15;
	[dreg:$0x12] =	wrdreg s6  }
0x21: {  	s26 =	simm.s32 $0x6A00;
	s16 =	sadd.s32 $0x2000, s15;
	[dreg:$0x5] =	wrdreg s1  }
0x22: {  	s17 =	sadd.s32 $0x3000, s15;
	s7 =	simm.s32 $0xE200;
	[dreg:$0x6] =	wrdreg s16  }
0x23: {  	s6 =	sadd.s32 $0x200, s2;
	s8 =	smax.u32 s8, $0x1;
	[dreg:$0x7] =	wrdreg s17  }
0x24: {  	s15 =	simm.s32 $0x12200;
	[dreg:$0x13] =	wrdreg s7;
	s7 =	sadd.s32 $0x300, s2  }
0x25: {  	v2 =	vlaneseq.u32;
	[dreg:$0x1a] =	wrdreg s15;
	s16 =	simm.s32 $0x12A00;
	s17 =	simm.s32 $0x13200  }
0x26: {  	vm0 =	vmmov $0xffff;
	v1 =	vshrl.u32 v2, $0x3;
	s15 =	simm.s32 $0x1200;
	s1 =	simm.s32 $0x4;
	[dreg:$0x1b] =	wrdreg s16  }
0x27: {  	v0 =	vand.u32 $0x7, v2;
	v2 =	vor.u32 $0x8, v2;
	v1 =	vmul.u32 $0x8, v1;
	[dreg:$0x1c] =	wrdreg s17;
	s16 =	simm.s32 $0x1A00;
	s17 =	simm.s32 $0x2200  }
.LBB2_1:
0x28: {  	s0 =	rddreg [dreg:$0x4]  }
0x29: {  	[tilespmem:s3], [sflag:$0x5] =	stream.linear.gather [hbm4b:s0+s3], $0x200, $0x38;
	[tilespmem:$0x18200] =	vst v63  }
0x2a: {  	_ =	swait.ge [sflag:s9], $0x200  }
0x2b: {  	s4 =	sld [smem:$0x7F7]  }
0x2c: {  	[sflag:s9] =	ssyncset.done $0x0  }
0x2d: {  	[sflag:s9] =	ssyncadd.s32 $0xFFFFFE00  }
0x2e: {  	[tilespmem:s10], [sflag:$0x1] =	stream.linear.gather [hbm4b:s4+s3], $0x8000, $0x38;
	[tilespmem:$0x18200] =	vst v63  }
0x2f: {  	s0 =	rddreg [dreg:$0x5]  }
0x30: {  	[tilespmem:s11], [sflag:$0x2] =	stream.linear.gather [hbm4b:s0+s3], $0x8000, $0x38;
	[tilespmem:$0x18200] =	vst v63  }
0x31: {  	s4 =	rddreg [dreg:$0x6]  }
0x32: {  	[tilespmem:s12], [sflag:$0x3] =	stream.linear.gather [hbm4b:s4+s3], $0x8000, $0x38;
	[tilespmem:$0x18200] =	vst v63  }
0x33: {  	_ =	swait.ge [sflag:s13], $0x8000  }
0x34: {  	[sflag:s13] =	ssyncset.done $0x0  }
0x35: {  	[sflag:s13] =	ssyncadd.s32 $0xFFFF8000  }
0x36: {  	v3 =	vld [tilespmem:$0x0];
	_ =	sdelay $0x4  }
0x37: {  	v4 =	vshll.u32 v3, $0x3  }
0x38: {  	v3 =	vand.u32 $0x7, v3;
	v4 =	vand.u32 $0xFFFFFFC0, v4  }
0x39: {  	v3 =	vor.u32 v3, v4  }
0x3a: {  	v4 =	vperm.xlane v3, v0;
	_ =	sdelay $0x1  }
0x3b: {  	v4 =	vadd.s32 v1, v4;
	_ =	sdelay $0x4  }
0x3c: {  	[hbm4b:s2+s3] =	stream.indirect_vreg.scatter [tilespmem:s10], [sflag:$0x4], $0x80, v4, vm0, $0xb8;
	[tilespmem:$0x18200] =	vst v63  }
0x3d: {  	v3 =	vperm.xlane v3, v2  }
0x3e: {  	[hbm4b:s5+s3] =	stream.indirect_vreg.scatter [tilespmem:s14], [sflag:$0x4], $0x80, v4, vm0, $0xb8;
	[tilespmem:$0x18200] =	vst v63  }
0x3f: {  	v3 =	vadd.s32 v1, v3  }
0x40: {  	[hbm4b:s6+s3] =	stream.indirect_vreg.scatter [tilespmem:s15], [sflag:$0x4], $0x80, v4, vm0, $0xb8;
	[tilespmem:$0x18200] =	vst v63  }
0x41: {  	_ = 	snop  }
0x42: {  	[hbm4b:s7+s3] =	stream.indirect_vreg.scatter [tilespmem:s16], [sflag:$0x4], $0x80, v4, vm0, $0xb8;
	[tilespmem:$0x18200] =	vst v63  }
0x43: {  	_ = 	snop  }
0x44: {  	[hbm4b:s2+s3] =	stream.indirect_vreg.scatter [tilespmem:s17], [sflag:$0x4], $0x80, v3, vm0, $0xb8;
	[tilespmem:$0x18200] =	vst v63  }
0x45: {  	_ = 	snop  }
0x46: {  	[hbm4b:s5+s3] =	stream.indirect_vreg.scatter [tilespmem:s18], [sflag:$0x4], $0x80, v3, vm0, $0xb8;
	[tilespmem:$0x18200] =	vst v63  }
0x47: {  	_ = 	snop  }
0x48: {  	[hbm4b:s6+s3] =	stream.indirect_vreg.scatter [tilespmem:s19], [sflag:$0x4], $0x80, v3, vm0, $0xb8;
	[tilespmem:$0x18200] =	vst v63  }
0x49: {  	_ = 	snop  }
0x4a: {  	[hbm4b:s7+s3] =	stream.indirect_vreg.scatter [tilespmem:s20], [sflag:$0x4], $0x80, v3, vm0, $0xb8;
	[tilespmem:$0x18200] =	vst v63  }
0x4b: {  	v3 =	vld [tilespmem:$0x10];
	_ =	sdelay $0x4  }
0x4c: {  	v57 =	vshll.u32 v3, $0x3  }
0x4d: {  	v3 =	vand.u32 $0x7, v3;
	v4 =	vand.u32 $0xFFFFFFC0, v57  }
0x4e: {  	v3 =	vor.u32 v3, v4  }
0x4f: {  	v4 =	vperm.xlane v3, v0;
	_ =	sdelay $0x1  }
0x50: {  	v4 =	vadd.s32 v1, v4;
	_ =	sdelay $0x4  }
0x51: {  	[hbm4b:s2+s3] =	stream.indirect_vreg.scatter [tilespmem:s21], [sflag:$0x4], $0x80, v4, vm0, $0xb8;
	[tilespmem:$0x18200] =	vst v63  }
0x52: {  	v3 =	vperm.xlane v3, v2  }
0x53: {  	[hbm4b:s5+s3] =	stream.indirect_vreg.scatter [tilespmem:s22], [sflag:$0x4], $0x80, v4, vm0, $0xb8;
	[tilespmem:$0x18200] =	vst v63  }
0x54: {  	v3 =	vadd.s32 v1, v3  }
0x55: {  	[hbm4b:s6+s3] =	stream.indirect_vreg.scatter [tilespmem:s23], [sflag:$0x4], $0x80, v4, vm0, $0xb8;
	[tilespmem:$0x18200] =	vst v63  }
0x56: {  	_ = 	snop  }
0x57: {  	[hbm4b:s7+s3] =	stream.indirect_vreg.scatter [tilespmem:s24], [sflag:$0x4], $0x80, v4, vm0, $0xb8;
	[tilespmem:$0x18200] =	vst v63  }
0x58: {  	_ = 	snop  }
0x59: {  	[hbm4b:s2+s3] =	stream.indirect_vreg.scatter [tilespmem:s25], [sflag:$0x4], $0x80, v3, vm0, $0xb8;
	[tilespmem:$0x18200] =	vst v63  }
0x5a: {  	_ = 	snop  }
0x5b: {  	[hbm4b:s5+s3] =	stream.indirect_vreg.scatter [tilespmem:s26], [sflag:$0x4], $0x80, v3, vm0, $0xb8;
	[tilespmem:$0x18200] =	vst v63  }
0x5c: {  	_ = 	snop  }
0x5d: {  	[hbm4b:s6+s3] =	stream.indirect_vreg.scatter [tilespmem:s28], [sflag:$0x4], $0x80, v3, vm0, $0xb8;
	[tilespmem:$0x18200] =	vst v63  }
0x5e: {  	_ = 	snop  }
0x5f: {  	[hbm4b:s7+s3] =	stream.indirect_vreg.scatter [tilespmem:s29], [sflag:$0x4], $0x80, v3, vm0, $0xb8;
	[tilespmem:$0x18200] =	vst v63  }
0x60: {  	_ =	swait.ge [sflag:s30], $0x8000  }
0x61: {  	[sflag:s30] =	ssyncset.done $0x0  }
0x62: {  	[sflag:s30] =	ssyncadd.s32 $0xFFFF8000  }
0x63: {  	v3 =	vld [tilespmem:$0x80];
	_ =	sdelay $0x4  }
0x64: {  	v58 =	vshll.u32 v3, $0x3  }
0x65: {  	v3 =	vand.u32 $0x7, v3;
	v4 =	vand.u32 $0xFFFFFFC0, v58  }
0x66: {  	v3 =	vor.u32 v3, v4  }
0x67: {  	v4 =	vperm.xlane v3, v0;
	_ =	sdelay $0x1  }
0x68: {  	v4 =	vadd.s32 v1, v4;
	_ =	sdelay $0x4  }
0x69: {  	[hbm4b:s2+s3] =	stream.indirect_vreg.scatter [tilespmem:s11], [sflag:$0x4], $0x80, v4, vm0, $0xb8;
	[tilespmem:$0x18200] =	vst v63  }
0x6a: {  	s0 =	rddreg [dreg:$0x8];
	v3 =	vperm.xlane v3, v2  }
0x6b: {  	[hbm4b:s5+s3] =	stream.indirect_vreg.scatter [tilespmem:s0], [sflag:$0x4], $0x80, v4, vm0, $0xb8;
	[tilespmem:$0x18200] =	vst v63  }
0x6c: {  	s4 =	rddreg [dreg:$0x9];
	v3 =	vadd.s32 v1, v3  }
0x6d: {  	[hbm4b:s6+s3] =	stream.indirect_vreg.scatter [tilespmem:s4], [sflag:$0x4], $0x80, v4, vm0, $0xb8;
	[tilespmem:$0x18200] =	vst v63  }
0x6e: {  	s0 =	rddreg [dreg:$0xa]  }
0x6f: {  	[hbm4b:s7+s3] =	stream.indirect_vreg.scatter [tilespmem:s0], [sflag:$0x4], $0x80, v4, vm0, $0xb8;
	[tilespmem:$0x18200] =	vst v63  }
0x70: {  	s4 =	rddreg [dreg:$0xb]  }
0x71: {  	[hbm4b:s2+s3] =	stream.indirect_vreg.scatter [tilespmem:s4], [sflag:$0x4], $0x80, v3, vm0, $0xb8;
	[tilespmem:$0x18200] =	vst v63  }
0x72: {  	s0 =	rddreg [dreg:$0xc]  }
0x73: {  	[hbm4b:s5+s3] =	stream.indirect_vreg.scatter [tilespmem:s0], [sflag:$0x4], $0x80, v3, vm0, $0xb8;
	[tilespmem:$0x18200] =	vst v63  }
0x74: {  	s4 =	rddreg [dreg:$0xd]  }
0x75: {  	[hbm4b:s6+s3] =	stream.indirect_vreg.scatter [tilespmem:s4], [sflag:$0x4], $0x80, v3, vm0, $0xb8;
	[tilespmem:$0x18200] =	vst v63  }
0x76: {  	s0 =	rddreg [dreg:$0xe]  }
0x77: {  	[hbm4b:s7+s3] =	stream.indirect_vreg.scatter [tilespmem:s0], [sflag:$0x4], $0x80, v3, vm0, $0xb8;
	[tilespmem:$0x18200] =	vst v63  }
0x78: {  	v3 =	vld [tilespmem:$0x90];
	_ =	sdelay $0x4  }
0x79: {  	v59 =	vshll.u32 v3, $0x3  }
0x7a: {  	v3 =	vand.u32 $0x7, v3;
	v4 =	vand.u32 $0xFFFFFFC0, v59  }
0x7b: {  	v3 =	vor.u32 v3, v4  }
0x7c: {  	v4 =	vperm.xlane v3, v0;
	_ =	sdelay $0x1  }
0x7d: {  	v4 =	vadd.s32 v1, v4;
	_ =	sdelay $0x3  }
0x7e: {  	s0 =	rddreg [dreg:$0xf]  }
0x7f: {  	[hbm4b:s2+s3] =	stream.indirect_vreg.scatter [tilespmem:s0], [sflag:$0x4], $0x80, v4, vm0, $0xb8;
	[tilespmem:$0x18200] =	vst v63  }
0x80: {  	s4 =	rddreg [dreg:$0x10];
	v3 =	vperm.xlane v3, v2  }
0x81: {  	[hbm4b:s5+s3] =	stream.indirect_vreg.scatter [tilespmem:s4], [sflag:$0x4], $0x80, v4, vm0, $0xb8;
	[tilespmem:$0x18200] =	vst v63  }
0x82: {  	v3 =	vadd.s32 v1, v3;
	s0 =	rddreg [dreg:$0x11]  }
0x83: {  	[hbm4b:s6+s3] =	stream.indirect_vreg.scatter [tilespmem:s0], [sflag:$0x4], $0x80, v4, vm0, $0xb8;
	[tilespmem:$0x18200] =	vst v63  }
0x84: {  	s4 =	rddreg [dreg:$0x12]  }
0x85: {  	[hbm4b:s7+s3] =	stream.indirect_vreg.scatter [tilespmem:s4], [sflag:$0x4], $0x80, v4, vm0, $0xb8;
	[tilespmem:$0x18200] =	vst v63  }
0x86: {  	s0 =	rddreg [dreg:$0x13]  }
0x87: {  	[hbm4b:s2+s3] =	stream.indirect_vreg.scatter [tilespmem:s0], [sflag:$0x4], $0x80, v3, vm0, $0xb8;
	[tilespmem:$0x18200] =	vst v63  }
0x88: {  	s4 =	rddreg [dreg:$0x14]  }
0x89: {  	[hbm4b:s5+s3] =	stream.indirect_vreg.scatter [tilespmem:s4], [sflag:$0x4], $0x80, v3, vm0, $0xb8;
	[tilespmem:$0x18200] =	vst v63  }
0x8a: {  	s0 =	rddreg [dreg:$0x15]  }
0x8b: {  	[hbm4b:s6+s3] =	stream.indirect_vreg.scatter [tilespmem:s0], [sflag:$0x4], $0x80, v3, vm0, $0xb8;
	[tilespmem:$0x18200] =	vst v63  }
0x8c: {  	s4 =	rddreg [dreg:$0x16]  }
0x8d: {  	[hbm4b:s7+s3] =	stream.indirect_vreg.scatter [tilespmem:s4], [sflag:$0x4], $0x80, v3, vm0, $0xb8;
	[tilespmem:$0x18200] =	vst v63  }
0x8e: {  	_ =	swait.ge [sflag:s31], $0x8000  }
0x8f: {  	[sflag:s31] =	ssyncset.done $0x0  }
0x90: {  	[sflag:s31] =	ssyncadd.s32 $0xFFFF8000  }
0x91: {  	v3 =	vld [tilespmem:$0x100];
	_ =	sdelay $0x4  }
0x92: {  	v60 =	vshll.u32 v3, $0x3  }
0x93: {  	v3 =	vand.u32 $0x7, v3;
	v4 =	vand.u32 $0xFFFFFFC0, v60  }
0x94: {  	v3 =	vor.u32 v3, v4  }
0x95: {  	v4 =	vperm.xlane v3, v0;
	_ =	sdelay $0x1  }
0x96: {  	v4 =	vadd.s32 v1, v4;
	_ =	sdelay $0x4  }
0x97: {  	[hbm4b:s2+s3] =	stream.indirect_vreg.scatter [tilespmem:s12], [sflag:$0x4], $0x80, v4, vm0, $0xb8;
	[tilespmem:$0x18200] =	vst v63  }
0x98: {  	s0 =	rddreg [dreg:$0x17];
	v3 =	vperm.xlane v3, v2  }
0x99: {  	[hbm4b:s5+s3] =	stream.indirect_vreg.scatter [tilespmem:s0], [sflag:$0x4], $0x80, v4, vm0, $0xb8;
	[tilespmem:$0x18200] =	vst v63  }
0x9a: {  	s4 =	rddreg [dreg:$0x18];
	v3 =	vadd.s32 v1, v3  }
0x9b: {  	[hbm4b:s6+s3] =	stream.indirect_vreg.scatter [tilespmem:s4], [sflag:$0x4], $0x80, v4, vm0, $0xb8;
	[tilespmem:$0x18200] =	vst v63  }
0x9c: {  	s0 =	rddreg [dreg:$0x19]  }
0x9d: {  	[hbm4b:s7+s3] =	stream.indirect_vreg.scatter [tilespmem:s0], [sflag:$0x4], $0x80, v4, vm0, $0xb8;
	[tilespmem:$0x18200] =	vst v63  }
0x9e: {  	s4 =	rddreg [dreg:$0x1a]  }
0x9f: {  	[hbm4b:s2+s3] =	stream.indirect_vreg.scatter [tilespmem:s4], [sflag:$0x4], $0x80, v3, vm0, $0xb8;
	[tilespmem:$0x18200] =	vst v63  }
0xa0: {  	s0 =	rddreg [dreg:$0x1b]  }
0xa1: {  	[hbm4b:s5+s3] =	stream.indirect_vreg.scatter [tilespmem:s0], [sflag:$0x4], $0x80, v3, vm0, $0xb8;
	[tilespmem:$0x18200] =	vst v63  }
0xa2: {  	s4 =	rddreg [dreg:$0x1c]  }
0xa3: {  	[hbm4b:s6+s3] =	stream.indirect_vreg.scatter [tilespmem:s4], [sflag:$0x4], $0x80, v3, vm0, $0xb8;
	[tilespmem:$0x18200] =	vst v63  }
0xa4: {  	s0 =	rddreg [dreg:$0x1d]  }
0xa5: {  	[hbm4b:s7+s3] =	stream.indirect_vreg.scatter [tilespmem:s0], [sflag:$0x4], $0x80, v3, vm0, $0xb8;
	[tilespmem:$0x18200] =	vst v63  }
0xa6: {  	v3 =	vld [tilespmem:$0x110];
	_ =	sdelay $0x4  }
0xa7: {  	v61 =	vshll.u32 v3, $0x3  }
0xa8: {  	v3 =	vand.u32 $0x7, v3;
	v4 =	vand.u32 $0xFFFFFFC0, v61  }
0xa9: {  	v3 =	vor.u32 v3, v4  }
0xaa: {  	v4 =	vperm.xlane v3, v0;
	_ =	sdelay $0x1  }
0xab: {  	v4 =	vadd.s32 v1, v4;
	_ =	sdelay $0x2  }
0xac: {  	s4 =	rddreg [dreg:$0x1f]  }
0xad: {  	s0 =	rddreg [dreg:$0x1e]  }
0xae: {  	[hbm4b:s2+s3] =	stream.indirect_vreg.scatter [tilespmem:s0], [sflag:$0x4], $0x80, v4, vm0, $0xb8;
	[tilespmem:$0x18200] =	vst v63  }
0xaf: {  	v3 =	vperm.xlane v3, v2;
	s0 =	sld [smem:$0x7F8]  }
0xb0: {  	[hbm4b:s5+s3] =	stream.indirect_vreg.scatter [tilespmem:s4], [sflag:$0x4], $0x80, v4, vm0, $0xb8;
	[tilespmem:$0x18200] =	vst v63  }
0xb1: {  	v3 =	vadd.s32 v1, v3;
	s4 =	sld [smem:$0x7F9]  }
0xb2: {  	[hbm4b:s6+s3] =	stream.indirect_vreg.scatter [tilespmem:s0], [sflag:$0x4], $0x80, v4, vm0, $0xb8;
	[tilespmem:$0x18200] =	vst v63  }
0xb3: {  	s0 =	sld [smem:$0x7FA]  }
0xb4: {  	[hbm4b:s7+s3] =	stream.indirect_vreg.scatter [tilespmem:s4], [sflag:$0x4], $0x80, v4, vm0, $0xb8;
	[tilespmem:$0x18200] =	vst v63  }
0xb5: {  	s4 =	sld [smem:$0x7FB]  }
0xb6: {  	[hbm4b:s2+s3] =	stream.indirect_vreg.scatter [tilespmem:s0], [sflag:$0x4], $0x80, v3, vm0, $0xb8;
	[tilespmem:$0x18200] =	vst v63  }
0xb7: {  	s0 =	sld [smem:$0x7FC]  }
0xb8: {  	[hbm4b:s5+s3] =	stream.indirect_vreg.scatter [tilespmem:s4], [sflag:$0x4], $0x80, v3, vm0, $0xb8;
	[tilespmem:$0x18200] =	vst v63  }
0xb9: {  	s4 =	sld [smem:$0x7FD]  }
0xba: {  	[hbm4b:s6+s3] =	stream.indirect_vreg.scatter [tilespmem:s0], [sflag:$0x4], $0x80, v3, vm0, $0xb8;
	[tilespmem:$0x18200] =	vst v63  }
0xbb: {  	_ = 	snop  }
0xbc: {  	[hbm4b:s7+s3] =	stream.indirect_vreg.scatter [tilespmem:s4], [sflag:$0x4], $0x80, v3, vm0, $0xb8;
	[tilespmem:$0x18200] =	vst v63  }
0xbd: {  	_ =	swait.ge [sflag:s1], $0x8000  }
0xbe: {  	[sflag:s1] =	ssyncset.done $0x0  }
0xbf: {  	s4 =	rddreg [dreg:$0x7];
	[sflag:s1] =	ssyncadd.s32 $0xFFFF8000  }
0xc0: {  	[tilespmem:s10], [sflag:$0x1] =	stream.linear.gather [hbm4b:s4+s3], $0x8000, $0x38;
	[tilespmem:$0x18200] =	vst v63  }
0xc1: {  	_ =	swait.ge [sflag:s13], $0x8000  }
0xc2: {  	[sflag:s13] =	ssyncset.done $0x0  }
0xc3: {  	[sflag:s13] =	ssyncadd.s32 $0xFFFF8000  }
0xc4: {  	v3 =	vld [tilespmem:$0x180];
	_ =	sdelay $0x4  }
0xc5: {  	v62 =	vshll.u32 v3, $0x3  }
0xc6: {  	v3 =	vand.u32 $0x7, v3;
	v4 =	vand.u32 $0xFFFFFFC0, v62  }
0xc7: {  	v3 =	vor.u32 v3, v4  }
0xc8: {  	v4 =	vperm.xlane v3, v0;
	_ =	sdelay $0x1  }
0xc9: {  	v4 =	vadd.s32 v1, v4;
	_ =	sdelay $0x4  }
0xca: {  	[hbm4b:s2+s3] =	stream.indirect_vreg.scatter [tilespmem:s10], [sflag:$0x4], $0x80, v4, vm0, $0xb8;
	[tilespmem:$0x18200] =	vst v63  }
0xcb: {  	v3 =	vperm.xlane v3, v2  }
0xcc: {  	[hbm4b:s5+s3] =	stream.indirect_vreg.scatter [tilespmem:s14], [sflag:$0x4], $0x80, v4, vm0, $0xb8;
	[tilespmem:$0x18200] =	vst v63  }
0xcd: {  	v3 =	vadd.s32 v1, v3  }
0xce: {  	[hbm4b:s6+s3] =	stream.indirect_vreg.scatter [tilespmem:s15], [sflag:$0x4], $0x80, v4, vm0, $0xb8;
	[tilespmem:$0x18200] =	vst v63  }
0xcf: {  	_ = 	snop  }
0xd0: {  	[hbm4b:s7+s3] =	stream.indirect_vreg.scatter [tilespmem:s16], [sflag:$0x4], $0x80, v4, vm0, $0xb8;
	[tilespmem:$0x18200] =	vst v63  }
0xd1: {  	_ = 	snop  }
0xd2: {  	[hbm4b:s2+s3] =	stream.indirect_vreg.scatter [tilespmem:s17], [sflag:$0x4], $0x80, v3, vm0, $0xb8;
	[tilespmem:$0x18200] =	vst v63  }
0xd3: {  	_ = 	snop  }
0xd4: {  	[hbm4b:s5+s3] =	stream.indirect_vreg.scatter [tilespmem:s18], [sflag:$0x4], $0x80, v3, vm0, $0xb8;
	[tilespmem:$0x18200] =	vst v63  }
0xd5: {  	_ = 	snop  }
0xd6: {  	[hbm4b:s6+s3] =	stream.indirect_vreg.scatter [tilespmem:s19], [sflag:$0x4], $0x80, v3, vm0, $0xb8;
	[tilespmem:$0x18200] =	vst v63  }
0xd7: {  	_ = 	snop  }
0xd8: {  	[hbm4b:s7+s3] =	stream.indirect_vreg.scatter [tilespmem:s20], [sflag:$0x4], $0x80, v3, vm0, $0xb8;
	[tilespmem:$0x18200] =	vst v63  }
0xd9: {  	v3 =	vld [tilespmem:$0x190];
	_ =	sdelay $0x4  }
0xda: {  	v63 =	vshll.u32 v3, $0x3  }
0xdb: {  	v3 =	vand.u32 $0x7, v3;
	v4 =	vand.u32 $0xFFFFFFC0, v63  }
0xdc: {  	v3 =	vor.u32 v3, v4  }
0xdd: {  	v4 =	vperm.xlane v3, v0;
	_ =	sdelay $0x1  }
0xde: {  	v4 =	vadd.s32 v1, v4;
	_ =	sdelay $0x4  }
0xdf: {  	[hbm4b:s2+s3] =	stream.indirect_vreg.scatter [tilespmem:s21], [sflag:$0x4], $0x80, v4, vm0, $0xb8;
	[tilespmem:$0x18200] =	vst v63  }
0xe0: {  	v3 =	vperm.xlane v3, v2  }
0xe1: {  	[hbm4b:s5+s3] =	stream.indirect_vreg.scatter [tilespmem:s22], [sflag:$0x4], $0x80, v4, vm0, $0xb8;
	[tilespmem:$0x18200] =	vst v63  }
0xe2: {  	v3 =	vadd.s32 v1, v3  }
0xe3: {  	[hbm4b:s6+s3] =	stream.indirect_vreg.scatter [tilespmem:s23], [sflag:$0x4], $0x80, v4, vm0, $0xb8;
	[tilespmem:$0x18200] =	vst v63  }
0xe4: {  	_ = 	snop  }
0xe5: {  	[hbm4b:s7+s3] =	stream.indirect_vreg.scatter [tilespmem:s24], [sflag:$0x4], $0x80, v4, vm0, $0xb8;
	[tilespmem:$0x18200] =	vst v63  }
0xe6: {  	_ = 	snop  }
0xe7: {  	[hbm4b:s2+s3] =	stream.indirect_vreg.scatter [tilespmem:s25], [sflag:$0x4], $0x80, v3, vm0, $0xb8;
	[tilespmem:$0x18200] =	vst v63  }
0xe8: {  	_ = 	snop  }
0xe9: {  	[hbm4b:s5+s3] =	stream.indirect_vreg.scatter [tilespmem:s26], [sflag:$0x4], $0x80, v3, vm0, $0xb8;
	[tilespmem:$0x18200] =	vst v63  }
0xea: {  	_ = 	snop  }
0xeb: {  	[hbm4b:s6+s3] =	stream.indirect_vreg.scatter [tilespmem:s28], [sflag:$0x4], $0x80, v3, vm0, $0xb8;
	[tilespmem:$0x18200] =	vst v63  }
0xec: {  	_ = 	snop  }
0xed: {  	[hbm4b:s7+s3] =	stream.indirect_vreg.scatter [tilespmem:s29], [sflag:$0x4], $0x80, v3, vm0, $0xb8;
	[tilespmem:$0x18200] =	vst v63  }
0xee: {  	_ =	swait.ge [sflag:s1], $0x8000  }
0xef: {  	[sflag:s1] =	ssyncset.done $0x0  }
0xf0: {  	[sflag:s1] =	ssyncadd.s32 $0xFFFF8000  }
0xf1: {  	p0 =	sne.s32 s8, $0x1;
	_ =	swait.ge [sflag:s1], $0x8000  }
.Ltmp0:
0xf2: {  	[sflag:s1] =	ssyncset.done $0x0;
	(pc) =	sbr.rel @p0 .LBB2_1-.Ltmp0, $4  }
0xf3: {  	[sflag:s1] =	ssyncadd.s32 $0xFFFF8000  }
0xf4: {  	_ =	swait.ge [sflag:s1], $0x8000  }
0xf5: {  	[sflag:s1] =	ssyncset.done $0x0  }
0xf6: {  	s8 =	sadd.s32 $0xFFFFFFFF, s8;
	[sflag:s1] =	ssyncadd.s32 $0xFFFF8000  }
0xf7: {  	_ =	sfence.sel $0x180000  }
0xf8: {  	[bflag:$0x0] =	sbarrier.arrive $0xFFFF  }
0xf9: {  	_ =	strace $0x90000047  }
0xfa: {  	s0 =	stileid.u32;
	[bflag:$0x2] =	sbarrier.arrive $0xFFFF  }
0xfb: {  	p0 =	sne.s32 s0, $0x0;
	s0 =	rddreg [dreg:$0x3]  }
0xfc: {  	s0 =	sadd.s32 @!p0 $0x100000, s0  }
0xfd: {  	[sflag:s0] =	ssyncadd.tile.s32 @!p0 $0x1;
	_ =	shalt  }
.Lfunc_end2:
_tile_overlayer_lowered:
.L_overlay_start_2:
0xfe: {  	(tag) =	ssettag $0x2  }
0xff: {  	s0 =	rddreg [dreg:$0x0];
	s2 =	stileid.u32  }
0x100: {  	s1 =	rddreg [dreg:$0x1];
	p0 =	sne.s32 s2, $0x0  }
0x101: {  	s3 =	rddreg [dreg:$0x2];
	[bflag:$0x3] =	sbarrier.arrive $0xFFFF;
	s2 =	simm.s32 @!p0 $0x1C05  }
0x102: {  	[timem:s3], [sflag:s2] =	dma.local @!p0 [hbm:s0], s1  }
0x103: {  	s0 =	simm.s32 @!p0 $0x5  }
0x104: {  	_ =	swait.ge @!p0 [sflag:s0], s1  }
0x105: {  	s1 =	ssub.s32 @!p0 $0x0, s1;
	[sflag:s0] =	ssyncset.done @!p0 $0x0  }
0x106: {  	[sflag:s0] =	ssyncadd.s32 @!p0 s1  }
0x107: {  	[bflag:$0x3] =	sbarrier.arrive $0xFFFF  }
0x108: {  	_ =	shalt  }

// kernel: kernel.9.cloned.1.call-start
scs
__scs_entry_jumppad:
0x0: {  	(pc) =	sbr.rel $0x88, $3  }
0x1: {  	(tag) =	ssettag $0x0;
	lr =	simm.s32 $0x1  }
0x2: {  	[smem:$0x3F9B] =	sst lr;
	_ =	strace $0xD0000000  }
0x3: {  	_ = 	snop  }
0x4: {  	_ = 	snop  }
0x5: {  	_ = 	snop  }
0x6: {  	_ = 	snop  }
0x7: {  	_ = 	snop  }
__scs_overlays_trampoline_lowered:
0x8: {  	[smem:$0x3FAA] =	sst s0  }
0x9: {  	[smem:$0x3FAB] =	sst s1  }
0xa: {  	[smem:$0x3FAC] =	sst s2  }
0xb: {  	[smem:$0x3FAD] =	sst s3  }
0xc: {  	[smem:$0x3FAE] =	sst s4  }
0xd: {  	[smem:$0x3FAF] =	sst s5  }
0xe: {  	[smem:$0x3FB0] =	sst s6  }
0xf: {  	[smem:$0x3FB1] =	sst s7  }
0x10: {  	[smem:$0x3FB2] =	sst s8  }
0x11: {  	[smem:$0x3FB3] =	sst s9;
	s0 =	simm.s32 @!p0 $0x0  }
0x12: {  	s1 =	sld [smem:$0x3F99];
	s0 =	simm.s32 @p0 $0x1  }
0x13: {  	[smem:$0x3FB4] =	sst s0;
	s0 =	simm.s32 @!p1 $0x0  }
0x14: {  	s2 =	sld [smem:$0x3F98];
	s0 =	simm.s32 @p1 $0x1  }
0x15: {  	[smem:$0x3FB5] =	sst s0;
	s0 =	simm.s32 @!p2 $0x0  }
0x16: {  	s3 =	sld [smem:$0x3FDB];
	s0 =	simm.s32 @p2 $0x1  }
0x17: {  	s4 =	simm.s32 $0x1BF5;
	[smem:$0x3FB7] =	sst s0  }
0x18: {  	s0 =	sld [smem:$0x3F9A];
	_ =	swait.ge [sflag:s4], $0x0  }
0x19: {  	s7 =	sld [smem:$0x3F9B]  }
0x1a: {  	s8 =	sadd.s32 $0xFFFFE003, lr  }
0x1b: {  	s9 =	sadd.s32 $0xFFFFFEF7, lr;
	s5 =	simm.s32 $0xFFFFFFFF;
	p2 =	slt.u32 s8, $0xFFFFF086  }
0x1c: {  	p1 =	slt.u32 s9, $0xF7A;
	s5 =	simm.s32 @!p2 $0x0  }
0x1d: {  	s5 =	simm.s32 @p1 $0x1;
	p0 =	seq.s32 s7, s2  }
0x1e: {  	s7 =	smul.u32 @!p0 $0xF7A, s2;
	p2 =	seq.s32 @!p0 s5, $0x0  }
0x1f: {  	s9 =	smul.u32 $0xF7A, s1;
	s8 =	simm.s32 @!p0 $0x1BF5;
	p2 =	por !p2, p0  }
0x20: {  	[sflag:s8] =	ssyncset.s32 @!p0 $0xFFFFF086;
	s6 =	sadd.s32 @!p0 s3, s7;
	s7 =	simm.s32 @!p0 $0x108  }
0x21: {  	s3 =	sadd.s32 s3, s9;
	s6 =	sadd.s32 @!p0 $0x88, s6;
	s7 =	simm.s32 @p2 $0x1082  }
0x22: {  	[simem:s7], [sflag:s8] =	dma.local @!p0 [hbm:s6], $0xF7A  }
0x23: {  	s9 =	sor.u32 $0xD0000000, s2;
	s6 =	simm.s32 $0x108;
	_ =	swait.ge @!p0 [sflag:s8], $0x0  }
0x24: {  	s3 =	sadd.s32 $0x88, s3;
	s6 =	simm.s32 @!p1 $0x1082;
	[sflag:s4] =	ssyncset.s32 $0xFFFFF086  }
0x25: {  	[simem:s6], [sflag:s4] =	dma.local [hbm:s3], $0xF7A  }
0x26: {  	[smem:$0x3F9B] =	sst s1;
	(tag) =	ssettag s2;
	_ =	strace s9  }
0x27: {  	s1 =	sld [smem:$0x3FAB]  }
0x28: {  	s2 =	sld [smem:$0x3FAC]  }
0x29: {  	s4 =	sld [smem:$0x3FAE]  }
0x2a: {  	p0 =	seq.s32 s5, $0x0;
	s5 =	sld [smem:$0x3FAF]  }
0x2b: {  	s6 =	sld [smem:$0x3FB0]  }
0x2c: {  	s7 =	sld [smem:$0x3FB1]  }
0x2d: {  	s3 =	simm.s32 $0x108;
	s8 =	sld [smem:$0x3FB2]  }
0x2e: {  	s3 =	simm.s32 @!p0 $0x1082;
	s9 =	sld [smem:$0x3FB3]  }
0x2f: {  	lr =	sadd.s32 s0, s3;
	s0 =	sld [smem:$0x3FAA]  }
0x30: {  	s3 =	sld [smem:$0x3FAD]  }
0x31: {  	[smem:$0x3FB6] =	sst s10  }
0x32: {  	s10 =	sld [smem:$0x3FB4];
	_ =	sdelay $0x3  }
0x33: {  	p0 =	seq.s32 s10, $0x1;
	s10 =	sld [smem:$0x3FB6];
	_ =	sdelay $0x3  }
0x34: {  	[smem:$0x3FB6] =	sst s10  }
0x35: {  	s10 =	sld [smem:$0x3FB5];
	_ =	sdelay $0x3  }
0x36: {  	p1 =	seq.s32 s10, $0x1;
	s10 =	sld [smem:$0x3FB6];
	_ =	sdelay $0x3  }
0x37: {  	[smem:$0x3FB6] =	sst s10  }
0x38: {  	s10 =	sld [smem:$0x3FB7]  }
0x39: {  	_ = 	snop;
	(pc) =	sbr.ind lr, $3  }
0x3a: {  	_ = 	snop  }
0x3b: {  	_ = 	snop  }
0x3c: {  	p2 =	seq.s32 s10, $0x1;
	s10 =	sld [smem:$0x3FB6]  }
0x3d: {  	_ =	shalt  }
0x3e: {  	_ =	shalt  }
0x3f: {  	_ =	shalt  }
0x40: {  	_ =	shalt  }
0x41: {  	_ =	shalt  }
0x42: {  	_ =	shalt  }
0x43: {  	_ =	shalt  }
0x44: {  	_ =	shalt  }
0x45: {  	_ =	shalt  }
0x46: {  	_ =	shalt  }
0x47: {  	_ =	shalt  }
0x48: {  	_ =	shalt  }
0x49: {  	_ =	shalt  }
0x4a: {  	_ =	shalt  }
0x4b: {  	_ =	shalt  }
0x4c: {  	_ =	shalt  }
0x4d: {  	_ =	shalt  }
0x4e: {  	_ =	shalt  }
0x4f: {  	_ =	shalt  }
0x50: {  	_ =	shalt  }
0x51: {  	_ =	shalt  }
0x52: {  	_ =	shalt  }
0x53: {  	_ =	shalt  }
0x54: {  	_ =	shalt  }
0x55: {  	_ =	shalt  }
0x56: {  	_ =	shalt  }
0x57: {  	_ =	shalt  }
0x58: {  	_ =	shalt  }
0x59: {  	_ =	shalt  }
0x5a: {  	_ =	shalt  }
0x5b: {  	_ =	shalt  }
0x5c: {  	_ =	shalt  }
0x5d: {  	_ =	shalt  }
0x5e: {  	_ =	shalt  }
0x5f: {  	_ =	shalt  }
0x60: {  	_ =	shalt  }
0x61: {  	_ =	shalt  }
0x62: {  	_ =	shalt  }
0x63: {  	_ =	shalt  }
0x64: {  	_ =	shalt  }
0x65: {  	_ =	shalt  }
0x66: {  	_ =	shalt  }
0x67: {  	_ =	shalt  }
0x68: {  	_ =	shalt  }
0x69: {  	_ =	shalt  }
0x6a: {  	_ =	shalt  }
0x6b: {  	_ =	shalt  }
0x6c: {  	_ =	shalt  }
0x6d: {  	_ =	shalt  }
0x6e: {  	_ =	shalt  }
0x6f: {  	_ =	shalt  }
0x70: {  	_ =	shalt  }
0x71: {  	_ =	shalt  }
0x72: {  	_ =	shalt  }
0x73: {  	_ =	shalt  }
0x74: {  	_ =	shalt  }
0x75: {  	_ =	shalt  }
0x76: {  	_ =	shalt  }
0x77: {  	_ =	shalt  }
0x78: {  	_ =	shalt  }
0x79: {  	_ =	shalt  }
0x7a: {  	_ =	shalt  }
0x7b: {  	_ =	shalt  }
0x7c: {  	_ =	shalt  }
0x7d: {  	_ =	shalt  }
0x7e: {  	_ =	shalt  }
0x7f: {  	_ =	shalt  }
0x80: {  	_ =	shalt  }
0x81: {  	_ =	shalt  }
0x82: {  	_ =	shalt  }
0x83: {  	_ =	shalt  }
0x84: {  	_ =	shalt  }
0x85: {  	_ =	shalt  }
0x86: {  	_ =	shalt  }
0x87: {  	_ =	shalt  }
.Lfunc_end0:
.L_simem_size_0:
called_computation.1_lowered:
.L_overlay_start_0:
0x88: {  	s2 =	sld [smem:$0x3FD9]  }
0x89: {  	s3 =	sld [smem:$0x3FFE];
	_ =	sdelay $0x1  }
0x8a: {  	s1 =	srdreg.scid  }
0x8b: {  	s0 =	sand.u32 $0x1, s1  }
0x8c: {  	s14 =	sshll.u32 s0, $0xA;
	s2 =	sadd.s32 s3, s2  }
0x8d: {  	s2 =	sadd.s32 s2, s14  }
0x8e: {  	[smem:$0x3FC2] =	sst s2  }
0x8f: {  	_ = 	snop  }
0x90: {  	s2 =	sld [smem:$0x3FD0];
	_ =	sdelay $0x2  }
0x91: {  	s15 =	simm.s32 $0xA;
	s4 =	simm.s32 $0x10  }
0x92: {  	[smem:s4], [sflag:s15] =	dma.local [hbm:s2], $0x1  }
0x93: {  	_ =	swait.eq [sflag:s15], $0x1  }
0x94: {  	[sflag:s15] =	ssyncset.done $0x0  }
0x95: {  	[sflag:s15] =	ssyncadd.s32 $0xFFFFFFFF  }
0x96: {  	s16 =	sld [smem:$0x11];
	(tm) =	ssettm $0x1  }
0x97: {  	s17 =	sld [smem:$0x3FFB];
	_ =	sdelay $0x3  }
0x98: {  	_ =	strace s17  }
0x99: {  	s3 =	sld [smem:$0x3FFC];
	_ =	sdelay $0x3  }
0x9a: {  	_ =	strace s3  }
0x9b: {  	s3 =	sld [smem:$0x3FFD];
	_ =	sdelay $0x3  }
0x9c: {  	_ =	strace s3  }
0x9d: {  	_ =	strace $0x8FFFFFFF  }
0x9e: {  	s18 =	sld [smem:$0x3FDB];
	_ =	sdelay $0x1  }
0x9f: {  	s19 =	simm.s32 $_scs_section_size  }
0xa0: {  	s5 =	simm.s32 $_size__tile_overlayer_lowered;
	s6 =	simm.s32 $_tile_overlayer_lowered  }
0xa1: {  	s22 =	simm.s32 $0x1BFF;
	s21 =	sshll.u32 s6, $0x1;
	s3 =	sadd.s32 s19, s18  }
0xa2: {  	s7 =	simm.s32 $0x0;
	s20 =	sshll.u32 s5, $0x1;
	s5 =	sadd.s32 s21, s3  }
0xa3: {  	[timem:s7], [sflag:s22] =	dma.local [hbm:s5], s20  }
0xa4: {  	_ =	swait.ge [sflag:s22], s20  }
0xa5: {  	s4 =	ssub.s32 $0x0, s20;
	[sflag:s22] =	ssyncset.done $0x0  }
0xa6: {  	[sflag:s22] =	ssyncadd.s32 s4;
	_ =	sdelay $0x1  }
0xa7: {  	s23 =	simm.s32 $0x1B8B  }
0xa8: {  	_ =	swait.ge [sflag:s23], $0x1  }
0xa9: {  	[sflag:s23] =	ssyncset.done $0x0  }
0xaa: {  	s25 =	simm.s32 $0x1B8E;
	s24 =	sld [smem:$0x3FFE];
	[sflag:s23] =	ssyncadd.s32 $0xFFFFFFFF  }
0xab: {  	s26 =	simm.s32 $execute0_lowered;
	[smem:$0x3FD2] =	sst s25  }
0xac: {  	s5 =	sshll.u32 s26, $0x1;
	_ =	strace $0x80000049;
	[dreg:$0x1] =	wrdreg $0xFFFFFFFF  }
0xad: {  	s28 =	simm.s32 $_size_execute0_lowered;
	s3 =	sadd.s32 s3, s5;
	[dreg:$0x0] =	wrdreg $0x0  }
0xae: {  	s5 =	sshll.u32 s28, $0x1;
	[dreg:$0x2] =	wrdreg s3  }
0xaf: {  	[dreg:$0x3] =	wrdreg s5  }
0xb0: {  	[dreg:$0x4] =	wrdreg $0xC0  }
0xb1: {  	_ =	task [dreg:s7], $0x5FFFF  }
0xb2: {  	[dreg:$0x1] =	wrdreg $0xFFFFFFFF  }
0xb3: {  	[dreg:$0x0] =	wrdreg $0x60  }
0xb4: {  	[dreg:$0x2] =	wrdreg s16  }
0xb5: {  	[dreg:$0x3] =	wrdreg s24  }
0xb6: {  	[dreg:$0x4] =	wrdreg $0x9  }
0xb7: {  	_ =	task.clear_ibuf [dreg:s7], $0x5FFFF;
	_ =	strace $0x90000049  }
0xb8: {  	s29 =	simm.s32 $0x9;
	_ =	strace $0x8000004B  }
0xb9: {  	_ =	swait.ge [sflag:s29], $0x1  }
0xba: {  	[sflag:s29] =	ssyncadd.s32 $0xFFFFFFFF  }
0xbb: {  	_ =	strace $0x9000004B  }
0xbc: {  	_ =	sfence  }
0xbd: {  	s30 =	sld [smem:$0x0];
	_ =	sdelay $0x2  }
0xbe: {  	s31 =	sshll.u32 s1, $0xD;
	s1 =	sshrl.u32 s1, $0x2  }
0xbf: {  	s3 =	sand.u32 $0x4000, s31;
	s1 =	sadd.s32 s1, s30  }
0xc0: {  	s0 =	sor.u32 s3, s0;
	s1 =	sshll.u32 s1, $0x11  }
0xc1: {  	s0 =	sor.u32 s1, s0  }
0xc2: {  	s0 =	sadd.s32 $0x8F2B, s0  }
0xc3: {  	[sflag:s0] =	ssyncadd.remote.s32 $0x1  }
0xc4: {  	_ =	sfence.sel $0xFFFF  }
0xc5: {  	[dreg:$0x0] =	wrdreg $0xFFFFFFFF;
	(pc) =	sbr.abs _section_cstart, $3  }
0xc6: {  	[dreg:$0x1] =	wrdreg $0xFFFFFFFF  }
0xc7: {  	_ =	task.clear_ibuf [dreg:s7], $0x2FFFF;
	_ =	strace $0x9FFFFFFF  }
0xc8: {  	(tm) =	ssettm $0x7FFFFFFF  }
0xc9: {  	_ =	shalt  }
tec
execute0_lowered:
.L_overlay_start_1:
0x0: {  	(tag) =	ssettag $0x1  }
0x1: {  	s2 =	rddreg [dreg:$0x0]  }
0x2: {  	s4 =	rddreg [dreg:$0x1]  }
0x3: {  	s0 =	rddreg [dreg:$0x2];
	s5 =	srdreg.scid  }
0x4: {  	s1 =	stileid.u32;
	s3 =	simm.s32 $0x0;
	s10 =	simm.s32 $0x5  }
0x5: {  	s11 =	simm.s32 $0x200;
	s12 =	simm.s32 $0xA00;
	s13 =	simm.s32 $0x1200  }
0x6: {  	s14 =	simm.s32 $0x1A00;
	s15 =	simm.s32 $0x2200;
	s16 =	simm.s32 $0x2A00  }
0x7: {  	s17 =	simm.s32 $0x3200;
	s18 =	simm.s32 $0x3A00;
	s19 =	simm.s32 $0x4200  }
0x8: {  	s20 =	simm.s32 $0x4A00;
	s21 =	simm.s32 $0x5200;
	s22 =	simm.s32 $0x5A00  }
0x9: {  	s23 =	simm.s32 $0x1;
	s24 =	simm.s32 $0x2;
	s25 =	simm.s32 $0x3  }
0xa: {  	s26 =	simm.s32 $0x4;
	s5 =	sand.u32 $0x1, s5;
	s6 =	sshll.u32 s1, $0x1  }
0xb: {  	[smem:$0x7FF] =	sst s3;
	s6 =	sor.u32 s5, s6;
	s5 =	ssub.s32 $0x2, s5  }
0xc: {  	_ =	strace $0x8000004A;
	s7 =	sshll.u32 s6, $0xC;
	s31 =	sshrl.u32 s5, $0x1  }
0xd: {  	v2 =	vlaneseq.u32;
	s6 =	sshll.u32 s6, $0x6;
	s8 =	sadd.s32 s7, s4;
	s9 =	ssub.s32 s5, s31  }
0xe: {  	vm0 =	vmmov $0xffff;
	v1 =	vshrl.u32 v2, $0x3;
	s4 =	sadd.s32 s4, s6;
	s5 =	sadd.s32 $0x800, s8;
	s6 =	sadd.s32 $0xC00, s8  }
0xf: {  	v0 =	vand.u32 $0x7, v2;
	v2 =	vor.u32 $0x8, v2;
	v1 =	vmul.u32 $0x8, v1;
	s7 =	sadd.s32 $0x1000, s8;
	s8 =	sadd.s32 $0x1400, s8;
	s9 =	smax.u32 s9, $0x1  }
.LBB2_1:
0x10: {  	[tilespmem:s3], [sflag:$0x5] =	stream.linear.gather [hbm4b:s4+s3], $0x200, $0x38;
	[tilespmem:$0x6200] =	vst v63  }
0x11: {  	_ =	swait.ge [sflag:s10], $0x200  }
0x12: {  	[sflag:s10] =	ssyncset.done $0x0  }
0x13: {  	[sflag:s10] =	ssyncadd.s32 $0xFFFFFE00  }
0x14: {  	v3 =	vld [tilespmem:$0x0];
	_ =	sdelay $0x4  }
0x15: {  	v4 =	vshll.u32 v3, $0x1  }
0x16: {  	v3 =	vand.u32 $0x7, v3;
	v4 =	vand.u32 $0xFFFFFFF0, v4  }
0x17: {  	v3 =	vor.u32 v3, v4  }
0x18: {  	v4 =	vperm.xlane v3, v0;
	_ =	sdelay $0x1  }
0x19: {  	v3 =	vperm.xlane v3, v2;
	v4 =	vadd.s32 v1, v4;
	_ =	sdelay $0x1  }
0x1a: {  	v3 =	vadd.s32 v1, v3;
	_ =	sdelay $0x2  }
0x1b: {  	[tilespmem:s11], [sflag:$0x1] =	stream.indirect_vreg.gather [hbm4b:s2+s3], $0x80, v4, vm0, $0xb8;
	[tilespmem:$0x6200] =	vst v63  }
0x1c: {  	_ = 	snop  }
0x1d: {  	[tilespmem:s12], [sflag:$0x1] =	stream.indirect_vreg.gather [hbm4b:s2+s3], $0x80, v3, vm0, $0xb8;
	[tilespmem:$0x6200] =	vst v63  }
0x1e: {  	v3 =	vld [tilespmem:$0x10];
	_ =	sdelay $0x4  }
0x1f: {  	v57 =	vshll.u32 v3, $0x1  }
0x20: {  	v3 =	vand.u32 $0x7, v3;
	v4 =	vand.u32 $0xFFFFFFF0, v57  }
0x21: {  	v3 =	vor.u32 v3, v4  }
0x22: {  	v4 =	vperm.xlane v3, v0;
	_ =	sdelay $0x1  }
0x23: {  	v3 =	vperm.xlane v3, v2;
	v4 =	vadd.s32 v1, v4;
	_ =	sdelay $0x1  }
0x24: {  	v3 =	vadd.s32 v1, v3;
	_ =	sdelay $0x2  }
0x25: {  	[tilespmem:s13], [sflag:$0x1] =	stream.indirect_vreg.gather [hbm4b:s2+s3], $0x80, v4, vm0, $0xb8;
	[tilespmem:$0x6200] =	vst v63  }
0x26: {  	_ = 	snop  }
0x27: {  	[tilespmem:s14], [sflag:$0x1] =	stream.indirect_vreg.gather [hbm4b:s2+s3], $0x80, v3, vm0, $0xb8;
	[tilespmem:$0x6200] =	vst v63  }
0x28: {  	v3 =	vld [tilespmem:$0x80];
	_ =	sdelay $0x4  }
0x29: {  	v58 =	vshll.u32 v3, $0x1  }
0x2a: {  	v3 =	vand.u32 $0x7, v3;
	v4 =	vand.u32 $0xFFFFFFF0, v58  }
0x2b: {  	v3 =	vor.u32 v3, v4  }
0x2c: {  	v4 =	vperm.xlane v3, v0;
	_ =	sdelay $0x1  }
0x2d: {  	v3 =	vperm.xlane v3, v2;
	v4 =	vadd.s32 v1, v4;
	_ =	sdelay $0x1  }
0x2e: {  	v3 =	vadd.s32 v1, v3;
	_ =	sdelay $0x2  }
0x2f: {  	[tilespmem:s15], [sflag:$0x2] =	stream.indirect_vreg.gather [hbm4b:s2+s3], $0x80, v4, vm0, $0xb8;
	[tilespmem:$0x6200] =	vst v63  }
0x30: {  	_ = 	snop  }
0x31: {  	[tilespmem:s16], [sflag:$0x2] =	stream.indirect_vreg.gather [hbm4b:s2+s3], $0x80, v3, vm0, $0xb8;
	[tilespmem:$0x6200] =	vst v63  }
0x32: {  	v3 =	vld [tilespmem:$0x90];
	_ =	sdelay $0x4  }
0x33: {  	v59 =	vshll.u32 v3, $0x1  }
0x34: {  	v3 =	vand.u32 $0x7, v3;
	v4 =	vand.u32 $0xFFFFFFF0, v59  }
0x35: {  	v3 =	vor.u32 v3, v4  }
0x36: {  	v4 =	vperm.xlane v3, v0;
	_ =	sdelay $0x1  }
0x37: {  	v3 =	vperm.xlane v3, v2;
	v4 =	vadd.s32 v1, v4;
	_ =	sdelay $0x1  }
0x38: {  	v3 =	vadd.s32 v1, v3;
	_ =	sdelay $0x2  }
0x39: {  	[tilespmem:s17], [sflag:$0x2] =	stream.indirect_vreg.gather [hbm4b:s2+s3], $0x80, v4, vm0, $0xb8;
	[tilespmem:$0x6200] =	vst v63  }
0x3a: {  	_ = 	snop  }
0x3b: {  	[tilespmem:s18], [sflag:$0x2] =	stream.indirect_vreg.gather [hbm4b:s2+s3], $0x80, v3, vm0, $0xb8;
	[tilespmem:$0x6200] =	vst v63  }
0x3c: {  	v3 =	vld [tilespmem:$0x100];
	_ =	sdelay $0x4  }
0x3d: {  	v60 =	vshll.u32 v3, $0x1  }
0x3e: {  	v3 =	vand.u32 $0x7, v3;
	v4 =	vand.u32 $0xFFFFFFF0, v60  }
0x3f: {  	v3 =	vor.u32 v3, v4  }
0x40: {  	v4 =	vperm.xlane v3, v0;
	_ =	sdelay $0x1  }
0x41: {  	v3 =	vperm.xlane v3, v2;
	v4 =	vadd.s32 v1, v4;
	_ =	sdelay $0x1  }
0x42: {  	v3 =	vadd.s32 v1, v3;
	_ =	sdelay $0x2  }
0x43: {  	[tilespmem:s19], [sflag:$0x3] =	stream.indirect_vreg.gather [hbm4b:s2+s3], $0x80, v4, vm0, $0xb8;
	[tilespmem:$0x6200] =	vst v63  }
0x44: {  	_ = 	snop  }
0x45: {  	[tilespmem:s20], [sflag:$0x3] =	stream.indirect_vreg.gather [hbm4b:s2+s3], $0x80, v3, vm0, $0xb8;
	[tilespmem:$0x6200] =	vst v63  }
0x46: {  	v3 =	vld [tilespmem:$0x110];
	_ =	sdelay $0x4  }
0x47: {  	v61 =	vshll.u32 v3, $0x1  }
0x48: {  	v3 =	vand.u32 $0x7, v3;
	v4 =	vand.u32 $0xFFFFFFF0, v61  }
0x49: {  	v3 =	vor.u32 v3, v4  }
0x4a: {  	v4 =	vperm.xlane v3, v0;
	_ =	sdelay $0x1  }
0x4b: {  	v3 =	vperm.xlane v3, v2;
	v4 =	vadd.s32 v1, v4;
	_ =	sdelay $0x1  }
0x4c: {  	v3 =	vadd.s32 v1, v3;
	_ =	sdelay $0x2  }
0x4d: {  	[tilespmem:s21], [sflag:$0x3] =	stream.indirect_vreg.gather [hbm4b:s2+s3], $0x80, v4, vm0, $0xb8;
	[tilespmem:$0x6200] =	vst v63  }
0x4e: {  	_ = 	snop  }
0x4f: {  	[tilespmem:s22], [sflag:$0x3] =	stream.indirect_vreg.gather [hbm4b:s2+s3], $0x80, v3, vm0, $0xb8;
	[tilespmem:$0x6200] =	vst v63  }
0x50: {  	_ =	swait.ge [sflag:s23], $0x2000  }
0x51: {  	[sflag:s23] =	ssyncset.done $0x0  }
0x52: {  	[sflag:s23] =	ssyncadd.s32 $0xFFFFE000  }
0x53: {  	[hbm4b:s5+s3] =	stream.linear.scatter [tilespmem:s11], [sflag:$0x4], $0x2000, $0x38;
	[tilespmem:$0x6200] =	vst v63  }
0x54: {  	_ =	swait.ge [sflag:s24], $0x2000  }
0x55: {  	[sflag:s24] =	ssyncset.done $0x0  }
0x56: {  	[sflag:s24] =	ssyncadd.s32 $0xFFFFE000  }
0x57: {  	[hbm4b:s6+s3] =	stream.linear.scatter [tilespmem:s15], [sflag:$0x4], $0x2000, $0x38;
	[tilespmem:$0x6200] =	vst v63  }
0x58: {  	_ =	swait.ge [sflag:s25], $0x2000  }
0x59: {  	[sflag:s25] =	ssyncset.done $0x0  }
0x5a: {  	[sflag:s25] =	ssyncadd.s32 $0xFFFFE000  }
0x5b: {  	[hbm4b:s7+s3] =	stream.linear.scatter [tilespmem:s19], [sflag:$0x4], $0x2000, $0x38;
	[tilespmem:$0x6200] =	vst v63  }
0x5c: {  	_ =	swait.ge [sflag:s26], $0x2000  }
0x5d: {  	[sflag:s26] =	ssyncset.done $0x0  }
0x5e: {  	[sflag:s26] =	ssyncadd.s32 $0xFFFFE000  }
0x5f: {  	v3 =	vld [tilespmem:$0x180];
	_ =	sdelay $0x4  }
0x60: {  	v62 =	vshll.u32 v3, $0x1  }
0x61: {  	v3 =	vand.u32 $0x7, v3;
	v4 =	vand.u32 $0xFFFFFFF0, v62  }
0x62: {  	v3 =	vor.u32 v3, v4  }
0x63: {  	v4 =	vperm.xlane v3, v0;
	_ =	sdelay $0x1  }
0x64: {  	v3 =	vperm.xlane v3, v2;
	v4 =	vadd.s32 v1, v4;
	_ =	sdelay $0x1  }
0x65: {  	v3 =	vadd.s32 v1, v3;
	_ =	sdelay $0x2  }
0x66: {  	[tilespmem:s11], [sflag:$0x1] =	stream.indirect_vreg.gather [hbm4b:s2+s3], $0x80, v4, vm0, $0xb8;
	[tilespmem:$0x6200] =	vst v63  }
0x67: {  	_ = 	snop  }
0x68: {  	[tilespmem:s12], [sflag:$0x1] =	stream.indirect_vreg.gather [hbm4b:s2+s3], $0x80, v3, vm0, $0xb8;
	[tilespmem:$0x6200] =	vst v63  }
0x69: {  	v3 =	vld [tilespmem:$0x190];
	_ =	sdelay $0x4  }
0x6a: {  	v63 =	vshll.u32 v3, $0x1  }
0x6b: {  	v3 =	vand.u32 $0x7, v3;
	v4 =	vand.u32 $0xFFFFFFF0, v63  }
0x6c: {  	v3 =	vor.u32 v3, v4  }
0x6d: {  	v4 =	vperm.xlane v3, v0;
	_ =	sdelay $0x1  }
0x6e: {  	v3 =	vperm.xlane v3, v2;
	v4 =	vadd.s32 v1, v4;
	_ =	sdelay $0x1  }
0x6f: {  	v3 =	vadd.s32 v1, v3;
	_ =	sdelay $0x2  }
0x70: {  	[tilespmem:s13], [sflag:$0x1] =	stream.indirect_vreg.gather [hbm4b:s2+s3], $0x80, v4, vm0, $0xb8;
	[tilespmem:$0x6200] =	vst v63  }
0x71: {  	_ = 	snop  }
0x72: {  	[tilespmem:s14], [sflag:$0x1] =	stream.indirect_vreg.gather [hbm4b:s2+s3], $0x80, v3, vm0, $0xb8;
	[tilespmem:$0x6200] =	vst v63  }
0x73: {  	_ =	swait.ge [sflag:s23], $0x2000  }
0x74: {  	[sflag:s23] =	ssyncset.done $0x0  }
0x75: {  	[sflag:s23] =	ssyncadd.s32 $0xFFFFE000  }
0x76: {  	[hbm4b:s8+s3] =	stream.linear.scatter [tilespmem:s11], [sflag:$0x4], $0x2000, $0x38;
	[tilespmem:$0x6200] =	vst v63  }
0x77: {  	_ =	swait.ge [sflag:s26], $0x2000  }
0x78: {  	[sflag:s26] =	ssyncset.done $0x0  }
0x79: {  	[sflag:s26] =	ssyncadd.s32 $0xFFFFE000  }
0x7a: {  	p0 =	sne.s32 s9, $0x1;
	_ =	swait.ge [sflag:s26], $0x2000  }
.Ltmp0:
0x7b: {  	[sflag:s26] =	ssyncset.done $0x0;
	(pc) =	sbr.rel @p0 .LBB2_1-.Ltmp0, $4  }
0x7c: {  	[sflag:s26] =	ssyncadd.s32 $0xFFFFE000  }
0x7d: {  	_ =	swait.ge [sflag:s26], $0x2000  }
0x7e: {  	[sflag:s26] =	ssyncset.done $0x0  }
0x7f: {  	s9 =	sadd.s32 $0xFFFFFFFF, s9;
	[sflag:s26] =	ssyncadd.s32 $0xFFFFE000  }
0x80: {  	_ =	sfence.sel $0x180000  }
0x81: {  	[bflag:$0x0] =	sbarrier.arrive $0xFFFF  }
0x82: {  	p0 =	sne.s32 s1, $0x0;
	_ =	strace $0x9000004A  }
0x83: {  	s0 =	sadd.s32 @!p0 $0x100000, s0;
	[bflag:$0x2] =	sbarrier.arrive $0xFFFF  }
0x84: {  	[sflag:s0] =	ssyncadd.tile.s32 @!p0 $0x1;
	_ =	shalt  }
.Lfunc_end2:
_tile_overlayer_lowered:
.L_overlay_start_2:
0x85: {  	(tag) =	ssettag $0x2  }
0x86: {  	s0 =	rddreg [dreg:$0x0];
	s2 =	stileid.u32  }
0x87: {  	s1 =	rddreg [dreg:$0x1];
	p0 =	sne.s32 s2, $0x0  }
0x88: {  	s3 =	rddreg [dreg:$0x2];
	[bflag:$0x3] =	sbarrier.arrive $0xFFFF;
	s2 =	simm.s32 @!p0 $0x1C05  }
0x89: {  	[timem:s3], [sflag:s2] =	dma.local @!p0 [hbm:s0], s1  }
0x8a: {  	s0 =	simm.s32 @!p0 $0x5  }
0x8b: {  	_ =	swait.ge @!p0 [sflag:s0], s1  }
0x8c: {  	s1 =	ssub.s32 @!p0 $0x0, s1;
	[sflag:s0] =	ssyncset.done @!p0 $0x0  }
0x8d: {  	[sflag:s0] =	ssyncadd.s32 @!p0 s1  }
0x8e: {  	[bflag:$0x3] =	sbarrier.arrive $0xFFFF  }
0x8f: {  	_ =	shalt  }

</sc_bundles>
